<compile_context>
chip_gen: v7x
topology: tpu7x:2x2x1
jax: 0.10.2.dev20260603
libtpu: 0.0.44.dev20260713+nightly
codegen_flags: <defaults>
</compile_context>

<pallas_src>
import functools

import jax
import jax.numpy as jnp
from jax import lax
from jax.experimental import pallas as pl
from jax.experimental.pallas import tpu as pltpu
from jax.experimental.pallas import tpu_sc as plsc

_D = 128
_NW = 32
_CHUNK = 80
_NBUF = 10
_NPAIR = _NBUF // 2
_NGRP = 4
_NCHUNK = _NBUF * _NGRP
_PER_W = _CHUNK * _NCHUNK
_B = 100000
_B_PAD = _PER_W * _NW
_LAST_FULL = (_B - 31 * _PER_W) // _CHUNK
_LAST_REM = _B - 31 * _PER_W - _LAST_FULL * _CHUNK

_mesh = plsc.VectorSubcoreMesh(core_axis_name="c", subcore_axis_name="s")


@functools.partial(
    pl.kernel,
    out_type=jax.ShapeDtypeStruct((_B, _D), jnp.float32),
    mesh=_mesh,
    scratch_types=[
        pltpu.VMEM((_PER_W,), jnp.int32),
        pltpu.VMEM((_NBUF * _CHUNK, _D), jnp.float32),
        [pltpu.SemaphoreType.DMA for _ in range(_NBUF)],
        [pltpu.SemaphoreType.DMA for _ in range(_NPAIR)],
    ],
)
def _sc_gather(x_hbm, idx_hbm, out_hbm, idx_v, big, gsems, ssems):
    wid = lax.axis_index("s") * 2 + lax.axis_index("c")
    base = wid * _PER_W

    def fire_gather(c, b):
        pltpu.async_copy(
            x_hbm.at[idx_v.at[pl.ds(c * _CHUNK, _CHUNK)]],
            big.at[pl.ds(b * _CHUNK, _CHUNK)],
            gsems[b],
        )

    def fire_scatter_pair(p, q):
        pltpu.async_copy(
            big.at[pl.ds(2 * q * _CHUNK, 2 * _CHUNK)],
            out_hbm.at[pl.ds(base + 2 * p * _CHUNK, 2 * _CHUNK)],
            ssems[q],
        )

    def drain(sem, rows):
        pltpu.make_async_copy(
            x_hbm.at[pl.ds(0, rows)], big.at[pl.ds(0, rows)], sem
        ).wait()

    @pl.when(wid < _NW - 1)
    def _full_worker():
        pltpu.sync_copy(idx_hbm.at[pl.ds(base, _PER_W)], idx_v)
        for b in range(_NBUF):
            fire_gather(b, b)

        def body(i, carry):
            for q in range(_NPAIR):
                drain(gsems[2 * q], _CHUNK)
                drain(gsems[2 * q + 1], _CHUNK)
                fire_scatter_pair(i * _NPAIR + q, q)
                if q >= 2:
                    qq = q - 2
                    drain(ssems[qq], 2 * _CHUNK)
                    fire_gather((i + 1) * _NBUF + 2 * qq, 2 * qq)
                    fire_gather((i + 1) * _NBUF + 2 * qq + 1, 2 * qq + 1)
            for qq in range(_NPAIR - 2, _NPAIR):
                drain(ssems[qq], 2 * _CHUNK)
                fire_gather((i + 1) * _NBUF + 2 * qq, 2 * qq)
                fire_gather((i + 1) * _NBUF + 2 * qq + 1, 2 * qq + 1)
            return carry

        lax.fori_loop(0, _NGRP - 1, body, 0)

        for q in range(_NPAIR):
            drain(gsems[2 * q], _CHUNK)
            drain(gsems[2 * q + 1], _CHUNK)
            fire_scatter_pair((_NGRP - 1) * _NPAIR + q, q)
        for q in range(_NPAIR):
            drain(ssems[q], 2 * _CHUNK)

    _TAIL = _B - 31 * _PER_W

    @pl.when(wid == _NW - 1)
    def _tail_worker():
        pltpu.sync_copy(idx_hbm.at[pl.ds(base, _TAIL)], idx_v.at[pl.ds(0, _TAIL)])

        def body(c, carry):
            pltpu.async_copy(
                x_hbm.at[idx_v.at[pl.ds(c * _CHUNK, _CHUNK)]],
                big.at[pl.ds(0, _CHUNK)],
                gsems[0],
            ).wait()
            pltpu.sync_copy(
                big.at[pl.ds(0, _CHUNK)],
                out_hbm.at[pl.ds(base + c * _CHUNK, _CHUNK)],
            )
            return carry

        lax.fori_loop(0, _LAST_FULL, body, 0)
        if _LAST_REM:
            pltpu.async_copy(
                x_hbm.at[idx_v.at[pl.ds(_LAST_FULL * _CHUNK, _LAST_REM)]],
                big.at[pl.ds(0, _LAST_REM)],
                gsems[0],
            ).wait()
            pltpu.sync_copy(
                big.at[pl.ds(0, _LAST_REM)],
                out_hbm.at[pl.ds(base + _LAST_FULL * _CHUNK, _LAST_REM)],
            )


def kernel(x, upsamples):
    idx = upsamples[:, 0].astype(jnp.int32)
    out = _sc_gather(x, idx)
    return out

# --- scband reference (transcript-rebuilt; emitter-appended) ---
"""Pipeline reference for scband-nearest-upsample-block-49555332661496 (READ-ONLY COPY).

The authoritative reference and input builder live on the scoring server;
editing this copy changes nothing except your own understanding.
"""

import jax, jax.numpy as jnp
import numpy as np

N_COARSE = 50000
N_FINE = 100000
D = 128
MAX_NUM = 16


def setup_inputs(seed: int = 0) -> dict:
    key = jax.random.key(seed)
    k1, k2 = jax.random.split(key)
    x = jax.random.normal(k1, (N_COARSE, D), dtype=jnp.float32)
    # valid index range is [0, N_COARSE] inclusive because closest_pool appends a zero pad row;
    # we sample in [0, N_COARSE) which is always valid
    upsamples = jax.random.randint(k2, (N_FINE, MAX_NUM), 0, N_COARSE, dtype=jnp.int64)
    return {"x": x, "upsamples": upsamples}


def reference(x, upsamples):
    # closest_pool: pad x with one zero row (shadow index), then gather first neighbor
    x_padded = jnp.concatenate([x, jnp.zeros_like(x[:1, :])], axis=0)
    inds = upsamples[:, 0]
    return jnp.take(x_padded, inds, axis=0)

if __name__ == "__main__":
    import jax
    _d = setup_inputs()
    print(jax.jit(kernel)(*tuple(_d.values())))

</pallas_src>

<mosaic_0001>
#map = affine_map<(d0, d1) -> (0, 0)>
#map1 = affine_map<(d0, d1) -> (0)>
module attributes {stable_mosaic.version = 14 : i64} {
  func.func @_sc_gather(%arg0: i32, %arg1: i32, %arg2: memref<50000x128xf32, #tpu.memory_space<hbm>>, %arg3: memref<100000xi32, #tpu.memory_space<hbm>>, %arg4: memref<100000x128xf32, #tpu.memory_space<hbm>>, %arg5: memref<3200xi32, #tpu.memory_space<vmem>>, %arg6: memref<800x128xf32, #tpu.memory_space<vmem>>, %arg7: memref<!tpu.dma_semaphore, #tpu.memory_space<semaphore_mem>>, %arg8: memref<!tpu.dma_semaphore, #tpu.memory_space<semaphore_mem>>, %arg9: memref<!tpu.dma_semaphore, #tpu.memory_space<semaphore_mem>>, %arg10: memref<!tpu.dma_semaphore, #tpu.memory_space<semaphore_mem>>, %arg11: memref<!tpu.dma_semaphore, #tpu.memory_space<semaphore_mem>>, %arg12: memref<!tpu.dma_semaphore, #tpu.memory_space<semaphore_mem>>, %arg13: memref<!tpu.dma_semaphore, #tpu.memory_space<semaphore_mem>>, %arg14: memref<!tpu.dma_semaphore, #tpu.memory_space<semaphore_mem>>, %arg15: memref<!tpu.dma_semaphore, #tpu.memory_space<semaphore_mem>>, %arg16: memref<!tpu.dma_semaphore, #tpu.memory_space<semaphore_mem>>, %arg17: memref<!tpu.dma_semaphore, #tpu.memory_space<semaphore_mem>>, %arg18: memref<!tpu.dma_semaphore, #tpu.memory_space<semaphore_mem>>, %arg19: memref<!tpu.dma_semaphore, #tpu.memory_space<semaphore_mem>>, %arg20: memref<!tpu.dma_semaphore, #tpu.memory_space<semaphore_mem>>, %arg21: memref<!tpu.dma_semaphore, #tpu.memory_space<semaphore_mem>>) attributes {dimension_semantics = [#tpu.dimension_semantics<core_parallel>, #tpu.dimension_semantics<subcore_parallel>], iteration_bounds = array<i64: 2, 16>, scalar_prefetch = 0 : i64, scratch_operands = 17 : i64, tpu.core_type = #tpu.core_type<sc_vector_subcore>, window_params = [{transform_indices = #map}, {transform_indices = #map1}, {transform_indices = #map}]} {
    %mul3A = arith.constant 2 : i32
    %mul3A_0 = arith.muli %arg1, %mul3A : i32
    %add3A = arith.addi %mul3A_0, %arg0 : i32
    %mul3A_1 = arith.constant 3200 : i32
    %mul3A_2 = arith.muli %add3A, %mul3A_1 : i32
    %lt3A = arith.constant 31 : i32
    %lt3A_3 = arith.cmpi slt, %add3A, %lt3A : i32
    %convert_element_type3A = arith.extui %lt3A_3 : i1 to i32
    %cond3A = arith.constant 0 : i32
    %cond3A_4 = arith.cmpi ne, %convert_element_type3A, %cond3A : i32
    scf.if %cond3A_4 {
      "tpu.region"() ({
        %run_scoped3A = tpu.sem_alloc : memref<!tpu.dma_semaphore, #tpu.memory_space<semaphore_mem>>
        %dma_start3A_332 = tpu.memref_slice %arg3[%mul3A_2] : memref<100000xi32, #tpu.memory_space<hbm>> -> memref<3200xi32, #tpu.memory_space<hbm>>
        %dma_start3A_333 = tpu.memref_slice %arg3[%mul3A_2] : memref<100000xi32, #tpu.memory_space<hbm>> -> memref<3200xi32, #tpu.memory_space<hbm>>
        tpu.enqueue_dma source(%dma_start3A_333 : memref<3200xi32, #tpu.memory_space<hbm>>) target(%arg5 : memref<3200xi32, #tpu.memory_space<vmem>>) target_semaphore(%run_scoped3A : memref<!tpu.dma_semaphore, #tpu.memory_space<semaphore_mem>>)
        %dma_wait3A_334 = tpu.memref_slice %arg3[%mul3A_2] : memref<100000xi32, #tpu.memory_space<hbm>> -> memref<3200xi32, #tpu.memory_space<hbm>>
        %dma_wait3A_335 = tpu.memref_slice %arg3[%mul3A_2] : memref<100000xi32, #tpu.memory_space<hbm>> -> memref<3200xi32, #tpu.memory_space<hbm>>
        tpu.wait_dma2 semaphore(%run_scoped3A : memref<!tpu.dma_semaphore, #tpu.memory_space<semaphore_mem>>) src(%dma_wait3A_335 : memref<3200xi32, #tpu.memory_space<hbm>>) dst(%arg5 : memref<3200xi32, #tpu.memory_space<vmem>>)
        tpu.yield
      }) : () -> ()
      %dma_start3A = arith.constant 0 : i32
      %dma_start3A_9 = arith.constant 0 : i32
      %dma_start3A_10 = tpu.memref_slice %arg6[%dma_start3A, %dma_start3A_9] : memref<800x128xf32, #tpu.memory_space<vmem>> -> memref<80x128xf32, #tpu.memory_space<vmem>>
      %dma_start3A_11 = arith.constant 0 : i32
      %dma_start3A_12 = tpu.memref_slice %arg5[%dma_start3A_11] : memref<3200xi32, #tpu.memory_space<vmem>> -> memref<80xi32, #tpu.memory_space<vmem>>
      %dma_start3A_13 = arith.constant 0 : i32
      %dma_start3A_14 = arith.constant 0 : i32
      %dma_start3A_15 = tpu.memref_slice %arg2[%dma_start3A_13, %dma_start3A_14] : memref<50000x128xf32, #tpu.memory_space<hbm>> -> memref<50000x128xf32, #tpu.memory_space<hbm>>
      tpu.enqueue_indirect_dma source(%dma_start3A_15 : memref<50000x128xf32, #tpu.memory_space<hbm>>) target(%dma_start3A_10 : memref<80x128xf32, #tpu.memory_space<vmem>>) offsets(%dma_start3A_12 : memref<80xi32, #tpu.memory_space<vmem>>) semaphore(%arg7 : memref<!tpu.dma_semaphore, #tpu.memory_space<semaphore_mem>>)
      %dma_start3A_16 = arith.constant 80 : i32
      %dma_start3A_17 = arith.constant 0 : i32
      %dma_start3A_18 = tpu.memref_slice %arg6[%dma_start3A_16, %dma_start3A_17] : memref<800x128xf32, #tpu.memory_space<vmem>> -> memref<80x128xf32, #tpu.memory_space<vmem>>
      %dma_start3A_19 = arith.constant 80 : i32
      %dma_start3A_20 = tpu.memref_slice %arg5[%dma_start3A_19] : memref<3200xi32, #tpu.memory_space<vmem>> -> memref<80xi32, #tpu.memory_space<vmem>>
      %dma_start3A_21 = arith.constant 0 : i32
      %dma_start3A_22 = arith.constant 0 : i32
      %dma_start3A_23 = tpu.memref_slice %arg2[%dma_start3A_21, %dma_start3A_22] : memref<50000x128xf32, #tpu.memory_space<hbm>> -> memref<50000x128xf32, #tpu.memory_space<hbm>>
      tpu.enqueue_indirect_dma source(%dma_start3A_23 : memref<50000x128xf32, #tpu.memory_space<hbm>>) target(%dma_start3A_18 : memref<80x128xf32, #tpu.memory_space<vmem>>) offsets(%dma_start3A_20 : memref<80xi32, #tpu.memory_space<vmem>>) semaphore(%arg8 : memref<!tpu.dma_semaphore, #tpu.memory_space<semaphore_mem>>)
      %dma_start3A_24 = arith.constant 160 : i32
      %dma_start3A_25 = arith.constant 0 : i32
      %dma_start3A_26 = tpu.memref_slice %arg6[%dma_start3A_24, %dma_start3A_25] : memref<800x128xf32, #tpu.memory_space<vmem>> -> memref<80x128xf32, #tpu.memory_space<vmem>>
      %dma_start3A_27 = arith.constant 160 : i32
      %dma_start3A_28 = tpu.memref_slice %arg5[%dma_start3A_27] : memref<3200xi32, #tpu.memory_space<vmem>> -> memref<80xi32, #tpu.memory_space<vmem>>
      %dma_start3A_29 = arith.constant 0 : i32
      %dma_start3A_30 = arith.constant 0 : i32
      %dma_start3A_31 = tpu.memref_slice %arg2[%dma_start3A_29, %dma_start3A_30] : memref<50000x128xf32, #tpu.memory_space<hbm>> -> memref<50000x128xf32, #tpu.memory_space<hbm>>
      tpu.enqueue_indirect_dma source(%dma_start3A_31 : memref<50000x128xf32, #tpu.memory_space<hbm>>) target(%dma_start3A_26 : memref<80x128xf32, #tpu.memory_space<vmem>>) offsets(%dma_start3A_28 : memref<80xi32, #tpu.memory_space<vmem>>) semaphore(%arg9 : memref<!tpu.dma_semaphore, #tpu.memory_space<semaphore_mem>>)
      %dma_start3A_32 = arith.constant 240 : i32
      %dma_start3A_33 = arith.constant 0 : i32
      %dma_start3A_34 = tpu.memref_slice %arg6[%dma_start3A_32, %dma_start3A_33] : memref<800x128xf32, #tpu.memory_space<vmem>> -> memref<80x128xf32, #tpu.memory_space<vmem>>
      %dma_start3A_35 = arith.constant 240 : i32
      %dma_start3A_36 = tpu.memref_slice %arg5[%dma_start3A_35] : memref<3200xi32, #tpu.memory_space<vmem>> -> memref<80xi32, #tpu.memory_space<vmem>>
      %dma_start3A_37 = arith.constant 0 : i32
      %dma_start3A_38 = arith.constant 0 : i32
      %dma_start3A_39 = tpu.memref_slice %arg2[%dma_start3A_37, %dma_start3A_38] : memref<50000x128xf32, #tpu.memory_space<hbm>> -> memref<50000x128xf32, #tpu.memory_space<hbm>>
      tpu.enqueue_indirect_dma source(%dma_start3A_39 : memref<50000x128xf32, #tpu.memory_space<hbm>>) target(%dma_start3A_34 : memref<80x128xf32, #tpu.memory_space<vmem>>) offsets(%dma_start3A_36 : memref<80xi32, #tpu.memory_space<vmem>>) semaphore(%arg10 : memref<!tpu.dma_semaphore, #tpu.memory_space<semaphore_mem>>)
      %dma_start3A_40 = arith.constant 320 : i32
      %dma_start3A_41 = arith.constant 0 : i32
      %dma_start3A_42 = tpu.memref_slice %arg6[%dma_start3A_40, %dma_start3A_41] : memref<800x128xf32, #tpu.memory_space<vmem>> -> memref<80x128xf32, #tpu.memory_space<vmem>>
      %dma_start3A_43 = arith.constant 320 : i32
      %dma_start3A_44 = tpu.memref_slice %arg5[%dma_start3A_43] : memref<3200xi32, #tpu.memory_space<vmem>> -> memref<80xi32, #tpu.memory_space<vmem>>
      %dma_start3A_45 = arith.constant 0 : i32
      %dma_start3A_46 = arith.constant 0 : i32
      %dma_start3A_47 = tpu.memref_slice %arg2[%dma_start3A_45, %dma_start3A_46] : memref<50000x128xf32, #tpu.memory_space<hbm>> -> memref<50000x128xf32, #tpu.memory_space<hbm>>
      tpu.enqueue_indirect_dma source(%dma_start3A_47 : memref<50000x128xf32, #tpu.memory_space<hbm>>) target(%dma_start3A_42 : memref<80x128xf32, #tpu.memory_space<vmem>>) offsets(%dma_start3A_44 : memref<80xi32, #tpu.memory_space<vmem>>) semaphore(%arg11 : memref<!tpu.dma_semaphore, #tpu.memory_space<semaphore_mem>>)
      %dma_start3A_48 = arith.constant 400 : i32
      %dma_start3A_49 = arith.constant 0 : i32
      %dma_start3A_50 = tpu.memref_slice %arg6[%dma_start3A_48, %dma_start3A_49] : memref<800x128xf32, #tpu.memory_space<vmem>> -> memref<80x128xf32, #tpu.memory_space<vmem>>
      %dma_start3A_51 = arith.constant 400 : i32
      %dma_start3A_52 = tpu.memref_slice %arg5[%dma_start3A_51] : memref<3200xi32, #tpu.memory_space<vmem>> -> memref<80xi32, #tpu.memory_space<vmem>>
      %dma_start3A_53 = arith.constant 0 : i32
      %dma_start3A_54 = arith.constant 0 : i32
      %dma_start3A_55 = tpu.memref_slice %arg2[%dma_start3A_53, %dma_start3A_54] : memref<50000x128xf32, #tpu.memory_space<hbm>> -> memref<50000x128xf32, #tpu.memory_space<hbm>>
      tpu.enqueue_indirect_dma source(%dma_start3A_55 : memref<50000x128xf32, #tpu.memory_space<hbm>>) target(%dma_start3A_50 : memref<80x128xf32, #tpu.memory_space<vmem>>) offsets(%dma_start3A_52 : memref<80xi32, #tpu.memory_space<vmem>>) semaphore(%arg12 : memref<!tpu.dma_semaphore, #tpu.memory_space<semaphore_mem>>)
      %dma_start3A_56 = arith.constant 480 : i32
      %dma_start3A_57 = arith.constant 0 : i32
      %dma_start3A_58 = tpu.memref_slice %arg6[%dma_start3A_56, %dma_start3A_57] : memref<800x128xf32, #tpu.memory_space<vmem>> -> memref<80x128xf32, #tpu.memory_space<vmem>>
      %dma_start3A_59 = arith.constant 480 : i32
      %dma_start3A_60 = tpu.memref_slice %arg5[%dma_start3A_59] : memref<3200xi32, #tpu.memory_space<vmem>> -> memref<80xi32, #tpu.memory_space<vmem>>
      %dma_start3A_61 = arith.constant 0 : i32
      %dma_start3A_62 = arith.constant 0 : i32
      %dma_start3A_63 = tpu.memref_slice %arg2[%dma_start3A_61, %dma_start3A_62] : memref<50000x128xf32, #tpu.memory_space<hbm>> -> memref<50000x128xf32, #tpu.memory_space<hbm>>
      tpu.enqueue_indirect_dma source(%dma_start3A_63 : memref<50000x128xf32, #tpu.memory_space<hbm>>) target(%dma_start3A_58 : memref<80x128xf32, #tpu.memory_space<vmem>>) offsets(%dma_start3A_60 : memref<80xi32, #tpu.memory_space<vmem>>) semaphore(%arg13 : memref<!tpu.dma_semaphore, #tpu.memory_space<semaphore_mem>>)
      %dma_start3A_64 = arith.constant 560 : i32
      %dma_start3A_65 = arith.constant 0 : i32
      %dma_start3A_66 = tpu.memref_slice %arg6[%dma_start3A_64, %dma_start3A_65] : memref<800x128xf32, #tpu.memory_space<vmem>> -> memref<80x128xf32, #tpu.memory_space<vmem>>
      %dma_start3A_67 = arith.constant 560 : i32
      %dma_start3A_68 = tpu.memref_slice %arg5[%dma_start3A_67] : memref<3200xi32, #tpu.memory_space<vmem>> -> memref<80xi32, #tpu.memory_space<vmem>>
      %dma_start3A_69 = arith.constant 0 : i32
      %dma_start3A_70 = arith.constant 0 : i32
      %dma_start3A_71 = tpu.memref_slice %arg2[%dma_start3A_69, %dma_start3A_70] : memref<50000x128xf32, #tpu.memory_space<hbm>> -> memref<50000x128xf32, #tpu.memory_space<hbm>>
      tpu.enqueue_indirect_dma source(%dma_start3A_71 : memref<50000x128xf32, #tpu.memory_space<hbm>>) target(%dma_start3A_66 : memref<80x128xf32, #tpu.memory_space<vmem>>) offsets(%dma_start3A_68 : memref<80xi32, #tpu.memory_space<vmem>>) semaphore(%arg14 : memref<!tpu.dma_semaphore, #tpu.memory_space<semaphore_mem>>)
      %dma_start3A_72 = arith.constant 640 : i32
      %dma_start3A_73 = arith.constant 0 : i32
      %dma_start3A_74 = tpu.memref_slice %arg6[%dma_start3A_72, %dma_start3A_73] : memref<800x128xf32, #tpu.memory_space<vmem>> -> memref<80x128xf32, #tpu.memory_space<vmem>>
      %dma_start3A_75 = arith.constant 640 : i32
      %dma_start3A_76 = tpu.memref_slice %arg5[%dma_start3A_75] : memref<3200xi32, #tpu.memory_space<vmem>> -> memref<80xi32, #tpu.memory_space<vmem>>
      %dma_start3A_77 = arith.constant 0 : i32
      %dma_start3A_78 = arith.constant 0 : i32
      %dma_start3A_79 = tpu.memref_slice %arg2[%dma_start3A_77, %dma_start3A_78] : memref<50000x128xf32, #tpu.memory_space<hbm>> -> memref<50000x128xf32, #tpu.memory_space<hbm>>
      tpu.enqueue_indirect_dma source(%dma_start3A_79 : memref<50000x128xf32, #tpu.memory_space<hbm>>) target(%dma_start3A_74 : memref<80x128xf32, #tpu.memory_space<vmem>>) offsets(%dma_start3A_76 : memref<80xi32, #tpu.memory_space<vmem>>) semaphore(%arg15 : memref<!tpu.dma_semaphore, #tpu.memory_space<semaphore_mem>>)
      %dma_start3A_80 = arith.constant 720 : i32
      %dma_start3A_81 = arith.constant 0 : i32
      %dma_start3A_82 = tpu.memref_slice %arg6[%dma_start3A_80, %dma_start3A_81] : memref<800x128xf32, #tpu.memory_space<vmem>> -> memref<80x128xf32, #tpu.memory_space<vmem>>
      %dma_start3A_83 = arith.constant 720 : i32
      %dma_start3A_84 = tpu.memref_slice %arg5[%dma_start3A_83] : memref<3200xi32, #tpu.memory_space<vmem>> -> memref<80xi32, #tpu.memory_space<vmem>>
      %dma_start3A_85 = arith.constant 0 : i32
      %dma_start3A_86 = arith.constant 0 : i32
      %dma_start3A_87 = tpu.memref_slice %arg2[%dma_start3A_85, %dma_start3A_86] : memref<50000x128xf32, #tpu.memory_space<hbm>> -> memref<50000x128xf32, #tpu.memory_space<hbm>>
      tpu.enqueue_indirect_dma source(%dma_start3A_87 : memref<50000x128xf32, #tpu.memory_space<hbm>>) target(%dma_start3A_82 : memref<80x128xf32, #tpu.memory_space<vmem>>) offsets(%dma_start3A_84 : memref<80xi32, #tpu.memory_space<vmem>>) semaphore(%arg16 : memref<!tpu.dma_semaphore, #tpu.memory_space<semaphore_mem>>)
      %scan3A = arith.constant 0 : i32
      %scan3A_88 = arith.constant 0 : i32
      %scan3A_89 = arith.constant 3 : i32
      %scan3A_90 = arith.addi %scan3A_88, %scan3A_89 : i32
      %scan3A_91 = arith.constant 1 : i32
      scf.for %scan3A_332 = %scan3A_88 to %scan3A_90 step %scan3A_91  : i32 {
        %dma_wait3A_333 = arith.constant 0 : i32
        %dma_wait3A_334 = arith.constant 0 : i32
        %dma_wait3A_335 = tpu.memref_slice %arg6[%dma_wait3A_333, %dma_wait3A_334] : memref<800x128xf32, #tpu.memory_space<vmem>> -> memref<80x128xf32, #tpu.memory_space<vmem>>
        %dma_wait3A_336 = arith.constant 0 : i32
        %dma_wait3A_337 = arith.constant 0 : i32
        %dma_wait3A_338 = tpu.memref_slice %arg2[%dma_wait3A_336, %dma_wait3A_337] : memref<50000x128xf32, #tpu.memory_space<hbm>> -> memref<80x128xf32, #tpu.memory_space<hbm>>
        %dma_wait3A_339 = arith.constant 0 : i32
        %dma_wait3A_340 = arith.constant 0 : i32
        %dma_wait3A_341 = tpu.memref_slice %arg6[%dma_wait3A_339, %dma_wait3A_340] : memref<800x128xf32, #tpu.memory_space<vmem>> -> memref<80x128xf32, #tpu.memory_space<vmem>>
        %dma_wait3A_342 = arith.constant 0 : i32
        %dma_wait3A_343 = arith.constant 0 : i32
        %dma_wait3A_344 = tpu.memref_slice %arg2[%dma_wait3A_342, %dma_wait3A_343] : memref<50000x128xf32, #tpu.memory_space<hbm>> -> memref<80x128xf32, #tpu.memory_space<hbm>>
        tpu.wait_dma2 semaphore(%arg7 : memref<!tpu.dma_semaphore, #tpu.memory_space<semaphore_mem>>) src(%dma_wait3A_344 : memref<80x128xf32, #tpu.memory_space<hbm>>) dst(%dma_wait3A_341 : memref<80x128xf32, #tpu.memory_space<vmem>>)
        %dma_wait3A_345 = arith.constant 0 : i32
        %dma_wait3A_346 = arith.constant 0 : i32
        %dma_wait3A_347 = tpu.memref_slice %arg6[%dma_wait3A_345, %dma_wait3A_346] : memref<800x128xf32, #tpu.memory_space<vmem>> -> memref<80x128xf32, #tpu.memory_space<vmem>>
        %dma_wait3A_348 = arith.constant 0 : i32
        %dma_wait3A_349 = arith.constant 0 : i32
        %dma_wait3A_350 = tpu.memref_slice %arg2[%dma_wait3A_348, %dma_wait3A_349] : memref<50000x128xf32, #tpu.memory_space<hbm>> -> memref<80x128xf32, #tpu.memory_space<hbm>>
        %dma_wait3A_351 = arith.constant 0 : i32
        %dma_wait3A_352 = arith.constant 0 : i32
        %dma_wait3A_353 = tpu.memref_slice %arg6[%dma_wait3A_351, %dma_wait3A_352] : memref<800x128xf32, #tpu.memory_space<vmem>> -> memref<80x128xf32, #tpu.memory_space<vmem>>
        %dma_wait3A_354 = arith.constant 0 : i32
        %dma_wait3A_355 = arith.constant 0 : i32
        %dma_wait3A_356 = tpu.memref_slice %arg2[%dma_wait3A_354, %dma_wait3A_355] : memref<50000x128xf32, #tpu.memory_space<hbm>> -> memref<80x128xf32, #tpu.memory_space<hbm>>
        tpu.wait_dma2 semaphore(%arg8 : memref<!tpu.dma_semaphore, #tpu.memory_space<semaphore_mem>>) src(%dma_wait3A_356 : memref<80x128xf32, #tpu.memory_space<hbm>>) dst(%dma_wait3A_353 : memref<80x128xf32, #tpu.memory_space<vmem>>)
        %mul3A_357 = arith.constant 5 : i32
        %mul3A_358 = arith.muli %scan3A_332, %mul3A_357 : i32
        %add3A_359 = arith.constant 0 : i32
        %add3A_360 = arith.addi %mul3A_358, %add3A_359 : i32
        %mul3A_361 = arith.constant 2 : i32
        %mul3A_362 = arith.muli %mul3A_361, %add3A_360 : i32
        %mul3A_363 = arith.constant 80 : i32
        %mul3A_364 = arith.muli %mul3A_362, %mul3A_363 : i32
        %add3A_365 = arith.addi %mul3A_2, %mul3A_364 : i32
        %dma_start3A_366 = arith.constant 0 : i32
        %dma_start3A_367 = arith.constant 0 : i32
        %dma_start3A_368 = tpu.memref_slice %arg6[%dma_start3A_366, %dma_start3A_367] : memref<800x128xf32, #tpu.memory_space<vmem>> -> memref<160x128xf32, #tpu.memory_space<vmem>>
        %dma_start3A_369 = arith.constant 0 : i32
        %dma_start3A_370 = tpu.memref_slice %arg4[%add3A_365, %dma_start3A_369] : memref<100000x128xf32, #tpu.memory_space<hbm>> -> memref<160x128xf32, #tpu.memory_space<hbm>>
        %dma_start3A_371 = arith.constant 0 : i32
        %dma_start3A_372 = tpu.memref_slice %arg4[%add3A_365, %dma_start3A_371] : memref<100000x128xf32, #tpu.memory_space<hbm>> -> memref<160x128xf32, #tpu.memory_space<hbm>>
        %dma_start3A_373 = arith.constant 0 : i32
        %dma_start3A_374 = arith.constant 0 : i32
        %dma_start3A_375 = tpu.memref_slice %arg6[%dma_start3A_373, %dma_start3A_374] : memref<800x128xf32, #tpu.memory_space<vmem>> -> memref<160x128xf32, #tpu.memory_space<vmem>>
        tpu.enqueue_dma source(%dma_start3A_375 : memref<160x128xf32, #tpu.memory_space<vmem>>) target(%dma_start3A_372 : memref<160x128xf32, #tpu.memory_space<hbm>>) target_semaphore(%arg17 : memref<!tpu.dma_semaphore, #tpu.memory_space<semaphore_mem>>)
        %dma_wait3A_376 = arith.constant 0 : i32
        %dma_wait3A_377 = arith.constant 0 : i32
        %dma_wait3A_378 = tpu.memref_slice %arg6[%dma_wait3A_376, %dma_wait3A_377] : memref<800x128xf32, #tpu.memory_space<vmem>> -> memref<80x128xf32, #tpu.memory_space<vmem>>
        %dma_wait3A_379 = arith.constant 0 : i32
        %dma_wait3A_380 = arith.constant 0 : i32
        %dma_wait3A_381 = tpu.memref_slice %arg2[%dma_wait3A_379, %dma_wait3A_380] : memref<50000x128xf32, #tpu.memory_space<hbm>> -> memref<80x128xf32, #tpu.memory_space<hbm>>
        %dma_wait3A_382 = arith.constant 0 : i32
        %dma_wait3A_383 = arith.constant 0 : i32
        %dma_wait3A_384 = tpu.memref_slice %arg6[%dma_wait3A_382, %dma_wait3A_383] : memref<800x128xf32, #tpu.memory_space<vmem>> -> memref<80x128xf32, #tpu.memory_space<vmem>>
        %dma_wait3A_385 = arith.constant 0 : i32
        %dma_wait3A_386 = arith.constant 0 : i32
        %dma_wait3A_387 = tpu.memref_slice %arg2[%dma_wait3A_385, %dma_wait3A_386] : memref<50000x128xf32, #tpu.memory_space<hbm>> -> memref<80x128xf32, #tpu.memory_space<hbm>>
        tpu.wait_dma2 semaphore(%arg9 : memref<!tpu.dma_semaphore, #tpu.memory_space<semaphore_mem>>) src(%dma_wait3A_387 : memref<80x128xf32, #tpu.memory_space<hbm>>) dst(%dma_wait3A_384 : memref<80x128xf32, #tpu.memory_space<vmem>>)
        %dma_wait3A_388 = arith.constant 0 : i32
        %dma_wait3A_389 = arith.constant 0 : i32
        %dma_wait3A_390 = tpu.memref_slice %arg6[%dma_wait3A_388, %dma_wait3A_389] : memref<800x128xf32, #tpu.memory_space<vmem>> -> memref<80x128xf32, #tpu.memory_space<vmem>>
        %dma_wait3A_391 = arith.constant 0 : i32
        %dma_wait3A_392 = arith.constant 0 : i32
        %dma_wait3A_393 = tpu.memref_slice %arg2[%dma_wait3A_391, %dma_wait3A_392] : memref<50000x128xf32, #tpu.memory_space<hbm>> -> memref<80x128xf32, #tpu.memory_space<hbm>>
        %dma_wait3A_394 = arith.constant 0 : i32
        %dma_wait3A_395 = arith.constant 0 : i32
        %dma_wait3A_396 = tpu.memref_slice %arg6[%dma_wait3A_394, %dma_wait3A_395] : memref<800x128xf32, #tpu.memory_space<vmem>> -> memref<80x128xf32, #tpu.memory_space<vmem>>
        %dma_wait3A_397 = arith.constant 0 : i32
        %dma_wait3A_398 = arith.constant 0 : i32
        %dma_wait3A_399 = tpu.memref_slice %arg2[%dma_wait3A_397, %dma_wait3A_398] : memref<50000x128xf32, #tpu.memory_space<hbm>> -> memref<80x128xf32, #tpu.memory_space<hbm>>
        tpu.wait_dma2 semaphore(%arg10 : memref<!tpu.dma_semaphore, #tpu.memory_space<semaphore_mem>>) src(%dma_wait3A_399 : memref<80x128xf32, #tpu.memory_space<hbm>>) dst(%dma_wait3A_396 : memref<80x128xf32, #tpu.memory_space<vmem>>)
        %mul3A_400 = arith.constant 5 : i32
        %mul3A_401 = arith.muli %scan3A_332, %mul3A_400 : i32
        %add3A_402 = arith.constant 1 : i32
        %add3A_403 = arith.addi %mul3A_401, %add3A_402 : i32
        %mul3A_404 = arith.constant 2 : i32
        %mul3A_405 = arith.muli %mul3A_404, %add3A_403 : i32
        %mul3A_406 = arith.constant 80 : i32
        %mul3A_407 = arith.muli %mul3A_405, %mul3A_406 : i32
        %add3A_408 = arith.addi %mul3A_2, %mul3A_407 : i32
        %dma_start3A_409 = arith.constant 160 : i32
        %dma_start3A_410 = arith.constant 0 : i32
        %dma_start3A_411 = tpu.memref_slice %arg6[%dma_start3A_409, %dma_start3A_410] : memref<800x128xf32, #tpu.memory_space<vmem>> -> memref<160x128xf32, #tpu.memory_space<vmem>>
        %dma_start3A_412 = arith.constant 0 : i32
        %dma_start3A_413 = tpu.memref_slice %arg4[%add3A_408, %dma_start3A_412] : memref<100000x128xf32, #tpu.memory_space<hbm>> -> memref<160x128xf32, #tpu.memory_space<hbm>>
        %dma_start3A_414 = arith.constant 0 : i32
        %dma_start3A_415 = tpu.memref_slice %arg4[%add3A_408, %dma_start3A_414] : memref<100000x128xf32, #tpu.memory_space<hbm>> -> memref<160x128xf32, #tpu.memory_space<hbm>>
        %dma_start3A_416 = arith.constant 160 : i32
        %dma_start3A_417 = arith.constant 0 : i32
        %dma_start3A_418 = tpu.memref_slice %arg6[%dma_start3A_416, %dma_start3A_417] : memref<800x128xf32, #tpu.memory_space<vmem>> -> memref<160x128xf32, #tpu.memory_space<vmem>>
        tpu.enqueue_dma source(%dma_start3A_418 : memref<160x128xf32, #tpu.memory_space<vmem>>) target(%dma_start3A_415 : memref<160x128xf32, #tpu.memory_space<hbm>>) target_semaphore(%arg18 : memref<!tpu.dma_semaphore, #tpu.memory_space<semaphore_mem>>)
        %dma_wait3A_419 = arith.constant 0 : i32
        %dma_wait3A_420 = arith.constant 0 : i32
        %dma_wait3A_421 = tpu.memref_slice %arg6[%dma_wait3A_419, %dma_wait3A_420] : memref<800x128xf32, #tpu.memory_space<vmem>> -> memref<80x128xf32, #tpu.memory_space<vmem>>
        %dma_wait3A_422 = arith.constant 0 : i32
        %dma_wait3A_423 = arith.constant 0 : i32
        %dma_wait3A_424 = tpu.memref_slice %arg2[%dma_wait3A_422, %dma_wait3A_423] : memref<50000x128xf32, #tpu.memory_space<hbm>> -> memref<80x128xf32, #tpu.memory_space<hbm>>
        %dma_wait3A_425 = arith.constant 0 : i32
        %dma_wait3A_426 = arith.constant 0 : i32
        %dma_wait3A_427 = tpu.memref_slice %arg6[%dma_wait3A_425, %dma_wait3A_426] : memref<800x128xf32, #tpu.memory_space<vmem>> -> memref<80x128xf32, #tpu.memory_space<vmem>>
        %dma_wait3A_428 = arith.constant 0 : i32
        %dma_wait3A_429 = arith.constant 0 : i32
        %dma_wait3A_430 = tpu.memref_slice %arg2[%dma_wait3A_428, %dma_wait3A_429] : memref<50000x128xf32, #tpu.memory_space<hbm>> -> memref<80x128xf32, #tpu.memory_space<hbm>>
        tpu.wait_dma2 semaphore(%arg11 : memref<!tpu.dma_semaphore, #tpu.memory_space<semaphore_mem>>) src(%dma_wait3A_430 : memref<80x128xf32, #tpu.memory_space<hbm>>) dst(%dma_wait3A_427 : memref<80x128xf32, #tpu.memory_space<vmem>>)
        %dma_wait3A_431 = arith.constant 0 : i32
        %dma_wait3A_432 = arith.constant 0 : i32
        %dma_wait3A_433 = tpu.memref_slice %arg6[%dma_wait3A_431, %dma_wait3A_432] : memref<800x128xf32, #tpu.memory_space<vmem>> -> memref<80x128xf32, #tpu.memory_space<vmem>>
        %dma_wait3A_434 = arith.constant 0 : i32
        %dma_wait3A_435 = arith.constant 0 : i32
        %dma_wait3A_436 = tpu.memref_slice %arg2[%dma_wait3A_434, %dma_wait3A_435] : memref<50000x128xf32, #tpu.memory_space<hbm>> -> memref<80x128xf32, #tpu.memory_space<hbm>>
        %dma_wait3A_437 = arith.constant 0 : i32
        %dma_wait3A_438 = arith.constant 0 : i32
        %dma_wait3A_439 = tpu.memref_slice %arg6[%dma_wait3A_437, %dma_wait3A_438] : memref<800x128xf32, #tpu.memory_space<vmem>> -> memref<80x128xf32, #tpu.memory_space<vmem>>
        %dma_wait3A_440 = arith.constant 0 : i32
        %dma_wait3A_441 = arith.constant 0 : i32
        %dma_wait3A_442 = tpu.memref_slice %arg2[%dma_wait3A_440, %dma_wait3A_441] : memref<50000x128xf32, #tpu.memory_space<hbm>> -> memref<80x128xf32, #tpu.memory_space<hbm>>
        tpu.wait_dma2 semaphore(%arg12 : memref<!tpu.dma_semaphore, #tpu.memory_space<semaphore_mem>>) src(%dma_wait3A_442 : memref<80x128xf32, #tpu.memory_space<hbm>>) dst(%dma_wait3A_439 : memref<80x128xf32, #tpu.memory_space<vmem>>)
        %mul3A_443 = arith.constant 5 : i32
        %mul3A_444 = arith.muli %scan3A_332, %mul3A_443 : i32
        %add3A_445 = arith.constant 2 : i32
        %add3A_446 = arith.addi %mul3A_444, %add3A_445 : i32
        %mul3A_447 = arith.constant 2 : i32
        %mul3A_448 = arith.muli %mul3A_447, %add3A_446 : i32
        %mul3A_449 = arith.constant 80 : i32
        %mul3A_450 = arith.muli %mul3A_448, %mul3A_449 : i32
        %add3A_451 = arith.addi %mul3A_2, %mul3A_450 : i32
        %dma_start3A_452 = arith.constant 320 : i32
        %dma_start3A_453 = arith.constant 0 : i32
        %dma_start3A_454 = tpu.memref_slice %arg6[%dma_start3A_452, %dma_start3A_453] : memref<800x128xf32, #tpu.memory_space<vmem>> -> memref<160x128xf32, #tpu.memory_space<vmem>>
        %dma_start3A_455 = arith.constant 0 : i32
        %dma_start3A_456 = tpu.memref_slice %arg4[%add3A_451, %dma_start3A_455] : memref<100000x128xf32, #tpu.memory_space<hbm>> -> memref<160x128xf32, #tpu.memory_space<hbm>>
        %dma_start3A_457 = arith.constant 0 : i32
        %dma_start3A_458 = tpu.memref_slice %arg4[%add3A_451, %dma_start3A_457] : memref<100000x128xf32, #tpu.memory_space<hbm>> -> memref<160x128xf32, #tpu.memory_space<hbm>>
        %dma_start3A_459 = arith.constant 320 : i32
        %dma_start3A_460 = arith.constant 0 : i32
        %dma_start3A_461 = tpu.memref_slice %arg6[%dma_start3A_459, %dma_start3A_460] : memref<800x128xf32, #tpu.memory_space<vmem>> -> memref<160x128xf32, #tpu.memory_space<vmem>>
        tpu.enqueue_dma source(%dma_start3A_461 : memref<160x128xf32, #tpu.memory_space<vmem>>) target(%dma_start3A_458 : memref<160x128xf32, #tpu.memory_space<hbm>>) target_semaphore(%arg19 : memref<!tpu.dma_semaphore, #tpu.memory_space<semaphore_mem>>)
        %dma_wait3A_462 = arith.constant 0 : i32
        %dma_wait3A_463 = arith.constant 0 : i32
        %dma_wait3A_464 = tpu.memref_slice %arg6[%dma_wait3A_462, %dma_wait3A_463] : memref<800x128xf32, #tpu.memory_space<vmem>> -> memref<160x128xf32, #tpu.memory_space<vmem>>
        %dma_wait3A_465 = arith.constant 0 : i32
        %dma_wait3A_466 = arith.constant 0 : i32
        %dma_wait3A_467 = tpu.memref_slice %arg2[%dma_wait3A_465, %dma_wait3A_466] : memref<50000x128xf32, #tpu.memory_space<hbm>> -> memref<160x128xf32, #tpu.memory_space<hbm>>
        %dma_wait3A_468 = arith.constant 0 : i32
        %dma_wait3A_469 = arith.constant 0 : i32
        %dma_wait3A_470 = tpu.memref_slice %arg6[%dma_wait3A_468, %dma_wait3A_469] : memref<800x128xf32, #tpu.memory_space<vmem>> -> memref<160x128xf32, #tpu.memory_space<vmem>>
        %dma_wait3A_471 = arith.constant 0 : i32
        %dma_wait3A_472 = arith.constant 0 : i32
        %dma_wait3A_473 = tpu.memref_slice %arg2[%dma_wait3A_471, %dma_wait3A_472] : memref<50000x128xf32, #tpu.memory_space<hbm>> -> memref<160x128xf32, #tpu.memory_space<hbm>>
        tpu.wait_dma2 semaphore(%arg17 : memref<!tpu.dma_semaphore, #tpu.memory_space<semaphore_mem>>) src(%dma_wait3A_473 : memref<160x128xf32, #tpu.memory_space<hbm>>) dst(%dma_wait3A_470 : memref<160x128xf32, #tpu.memory_space<vmem>>)
        %add3A_474 = arith.constant 1 : i32
        %add3A_475 = arith.addi %scan3A_332, %add3A_474 : i32
        %mul3A_476 = arith.constant 10 : i32
        %mul3A_477 = arith.muli %add3A_475, %mul3A_476 : i32
        %add3A_478 = arith.constant 0 : i32
        %add3A_479 = arith.addi %mul3A_477, %add3A_478 : i32
        %mul3A_480 = arith.constant 80 : i32
        %mul3A_481 = arith.muli %add3A_479, %mul3A_480 : i32
        %dma_start3A_482 = arith.constant 0 : i32
        %dma_start3A_483 = arith.constant 0 : i32
        %dma_start3A_484 = tpu.memref_slice %arg6[%dma_start3A_482, %dma_start3A_483] : memref<800x128xf32, #tpu.memory_space<vmem>> -> memref<80x128xf32, #tpu.memory_space<vmem>>
        %dma_start3A_485 = tpu.memref_slice %arg5[%mul3A_481] : memref<3200xi32, #tpu.memory_space<vmem>> -> memref<80xi32, #tpu.memory_space<vmem>>
        %dma_start3A_486 = arith.constant 0 : i32
        %dma_start3A_487 = arith.constant 0 : i32
        %dma_start3A_488 = tpu.memref_slice %arg2[%dma_start3A_486, %dma_start3A_487] : memref<50000x128xf32, #tpu.memory_space<hbm>> -> memref<50000x128xf32, #tpu.memory_space<hbm>>
        tpu.enqueue_indirect_dma source(%dma_start3A_488 : memref<50000x128xf32, #tpu.memory_space<hbm>>) target(%dma_start3A_484 : memref<80x128xf32, #tpu.memory_space<vmem>>) offsets(%dma_start3A_485 : memref<80xi32, #tpu.memory_space<vmem>>) semaphore(%arg7 : memref<!tpu.dma_semaphore, #tpu.memory_space<semaphore_mem>>)
        %add3A_489 = arith.constant 1 : i32
        %add3A_490 = arith.addi %scan3A_332, %add3A_489 : i32
        %mul3A_491 = arith.constant 10 : i32
        %mul3A_492 = arith.muli %add3A_490, %mul3A_491 : i32
        %add3A_493 = arith.constant 0 : i32
        %add3A_494 = arith.addi %mul3A_492, %add3A_493 : i32
        %add3A_495 = arith.constant 1 : i32
        %add3A_496 = arith.addi %add3A_494, %add3A_495 : i32
        %mul3A_497 = arith.constant 80 : i32
        %mul3A_498 = arith.muli %add3A_496, %mul3A_497 : i32
        %dma_start3A_499 = arith.constant 80 : i32
        %dma_start3A_500 = arith.constant 0 : i32
        %dma_start3A_501 = tpu.memref_slice %arg6[%dma_start3A_499, %dma_start3A_500] : memref<800x128xf32, #tpu.memory_space<vmem>> -> memref<80x128xf32, #tpu.memory_space<vmem>>
        %dma_start3A_502 = tpu.memref_slice %arg5[%mul3A_498] : memref<3200xi32, #tpu.memory_space<vmem>> -> memref<80xi32, #tpu.memory_space<vmem>>
        %dma_start3A_503 = arith.constant 0 : i32
        %dma_start3A_504 = arith.constant 0 : i32
        %dma_start3A_505 = tpu.memref_slice %arg2[%dma_start3A_503, %dma_start3A_504] : memref<50000x128xf32, #tpu.memory_space<hbm>> -> memref<50000x128xf32, #tpu.memory_space<hbm>>
        tpu.enqueue_indirect_dma source(%dma_start3A_505 : memref<50000x128xf32, #tpu.memory_space<hbm>>) target(%dma_start3A_501 : memref<80x128xf32, #tpu.memory_space<vmem>>) offsets(%dma_start3A_502 : memref<80xi32, #tpu.memory_space<vmem>>) semaphore(%arg8 : memref<!tpu.dma_semaphore, #tpu.memory_space<semaphore_mem>>)
        %dma_wait3A_506 = arith.constant 0 : i32
        %dma_wait3A_507 = arith.constant 0 : i32
        %dma_wait3A_508 = tpu.memref_slice %arg6[%dma_wait3A_506, %dma_wait3A_507] : memref<800x128xf32, #tpu.memory_space<vmem>> -> memref<80x128xf32, #tpu.memory_space<vmem>>
        %dma_wait3A_509 = arith.constant 0 : i32
        %dma_wait3A_510 = arith.constant 0 : i32
        %dma_wait3A_511 = tpu.memref_slice %arg2[%dma_wait3A_509, %dma_wait3A_510] : memref<50000x128xf32, #tpu.memory_space<hbm>> -> memref<80x128xf32, #tpu.memory_space<hbm>>
        %dma_wait3A_512 = arith.constant 0 : i32
        %dma_wait3A_513 = arith.constant 0 : i32
        %dma_wait3A_514 = tpu.memref_slice %arg6[%dma_wait3A_512, %dma_wait3A_513] : memref<800x128xf32, #tpu.memory_space<vmem>> -> memref<80x128xf32, #tpu.memory_space<vmem>>
        %dma_wait3A_515 = arith.constant 0 : i32
        %dma_wait3A_516 = arith.constant 0 : i32
        %dma_wait3A_517 = tpu.memref_slice %arg2[%dma_wait3A_515, %dma_wait3A_516] : memref<50000x128xf32, #tpu.memory_space<hbm>> -> memref<80x128xf32, #tpu.memory_space<hbm>>
        tpu.wait_dma2 semaphore(%arg13 : memref<!tpu.dma_semaphore, #tpu.memory_space<semaphore_mem>>) src(%dma_wait3A_517 : memref<80x128xf32, #tpu.memory_space<hbm>>) dst(%dma_wait3A_514 : memref<80x128xf32, #tpu.memory_space<vmem>>)
        %dma_wait3A_518 = arith.constant 0 : i32
        %dma_wait3A_519 = arith.constant 0 : i32
        %dma_wait3A_520 = tpu.memref_slice %arg6[%dma_wait3A_518, %dma_wait3A_519] : memref<800x128xf32, #tpu.memory_space<vmem>> -> memref<80x128xf32, #tpu.memory_space<vmem>>
        %dma_wait3A_521 = arith.constant 0 : i32
        %dma_wait3A_522 = arith.constant 0 : i32
        %dma_wait3A_523 = tpu.memref_slice %arg2[%dma_wait3A_521, %dma_wait3A_522] : memref<50000x128xf32, #tpu.memory_space<hbm>> -> memref<80x128xf32, #tpu.memory_space<hbm>>
        %dma_wait3A_524 = arith.constant 0 : i32
        %dma_wait3A_525 = arith.constant 0 : i32
        %dma_wait3A_526 = tpu.memref_slice %arg6[%dma_wait3A_524, %dma_wait3A_525] : memref<800x128xf32, #tpu.memory_space<vmem>> -> memref<80x128xf32, #tpu.memory_space<vmem>>
        %dma_wait3A_527 = arith.constant 0 : i32
        %dma_wait3A_528 = arith.constant 0 : i32
        %dma_wait3A_529 = tpu.memref_slice %arg2[%dma_wait3A_527, %dma_wait3A_528] : memref<50000x128xf32, #tpu.memory_space<hbm>> -> memref<80x128xf32, #tpu.memory_space<hbm>>
        tpu.wait_dma2 semaphore(%arg14 : memref<!tpu.dma_semaphore, #tpu.memory_space<semaphore_mem>>) src(%dma_wait3A_529 : memref<80x128xf32, #tpu.memory_space<hbm>>) dst(%dma_wait3A_526 : memref<80x128xf32, #tpu.memory_space<vmem>>)
        %mul3A_530 = arith.constant 5 : i32
        %mul3A_531 = arith.muli %scan3A_332, %mul3A_530 : i32
        %add3A_532 = arith.constant 3 : i32
        %add3A_533 = arith.addi %mul3A_531, %add3A_532 : i32
        %mul3A_534 = arith.constant 2 : i32
        %mul3A_535 = arith.muli %mul3A_534, %add3A_533 : i32
        %mul3A_536 = arith.constant 80 : i32
        %mul3A_537 = arith.muli %mul3A_535, %mul3A_536 : i32
        %add3A_538 = arith.addi %mul3A_2, %mul3A_537 : i32
        %dma_start3A_539 = arith.constant 480 : i32
        %dma_start3A_540 = arith.constant 0 : i32
        %dma_start3A_541 = tpu.memref_slice %arg6[%dma_start3A_539, %dma_start3A_540] : memref<800x128xf32, #tpu.memory_space<vmem>> -> memref<160x128xf32, #tpu.memory_space<vmem>>
        %dma_start3A_542 = arith.constant 0 : i32
        %dma_start3A_543 = tpu.memref_slice %arg4[%add3A_538, %dma_start3A_542] : memref<100000x128xf32, #tpu.memory_space<hbm>> -> memref<160x128xf32, #tpu.memory_space<hbm>>
        %dma_start3A_544 = arith.constant 0 : i32
        %dma_start3A_545 = tpu.memref_slice %arg4[%add3A_538, %dma_start3A_544] : memref<100000x128xf32, #tpu.memory_space<hbm>> -> memref<160x128xf32, #tpu.memory_space<hbm>>
        %dma_start3A_546 = arith.constant 480 : i32
        %dma_start3A_547 = arith.constant 0 : i32
        %dma_start3A_548 = tpu.memref_slice %arg6[%dma_start3A_546, %dma_start3A_547] : memref<800x128xf32, #tpu.memory_space<vmem>> -> memref<160x128xf32, #tpu.memory_space<vmem>>
        tpu.enqueue_dma source(%dma_start3A_548 : memref<160x128xf32, #tpu.memory_space<vmem>>) target(%dma_start3A_545 : memref<160x128xf32, #tpu.memory_space<hbm>>) target_semaphore(%arg20 : memref<!tpu.dma_semaphore, #tpu.memory_space<semaphore_mem>>)
        %dma_wait3A_549 = arith.constant 0 : i32
        %dma_wait3A_550 = arith.constant 0 : i32
        %dma_wait3A_551 = tpu.memref_slice %arg6[%dma_wait3A_549, %dma_wait3A_550] : memref<800x128xf32, #tpu.memory_space<vmem>> -> memref<160x128xf32, #tpu.memory_space<vmem>>
        %dma_wait3A_552 = arith.constant 0 : i32
        %dma_wait3A_553 = arith.constant 0 : i32
        %dma_wait3A_554 = tpu.memref_slice %arg2[%dma_wait3A_552, %dma_wait3A_553] : memref<50000x128xf32, #tpu.memory_space<hbm>> -> memref<160x128xf32, #tpu.memory_space<hbm>>
        %dma_wait3A_555 = arith.constant 0 : i32
        %dma_wait3A_556 = arith.constant 0 : i32
        %dma_wait3A_557 = tpu.memref_slice %arg6[%dma_wait3A_555, %dma_wait3A_556] : memref<800x128xf32, #tpu.memory_space<vmem>> -> memref<160x128xf32, #tpu.memory_space<vmem>>
        %dma_wait3A_558 = arith.constant 0 : i32
        %dma_wait3A_559 = arith.constant 0 : i32
        %dma_wait3A_560 = tpu.memref_slice %arg2[%dma_wait3A_558, %dma_wait3A_559] : memref<50000x128xf32, #tpu.memory_space<hbm>> -> memref<160x128xf32, #tpu.memory_space<hbm>>
        tpu.wait_dma2 semaphore(%arg18 : memref<!tpu.dma_semaphore, #tpu.memory_space<semaphore_mem>>) src(%dma_wait3A_560 : memref<160x128xf32, #tpu.memory_space<hbm>>) dst(%dma_wait3A_557 : memref<160x128xf32, #tpu.memory_space<vmem>>)
        %add3A_561 = arith.constant 1 : i32
        %add3A_562 = arith.addi %scan3A_332, %add3A_561 : i32
        %mul3A_563 = arith.constant 10 : i32
        %mul3A_564 = arith.muli %add3A_562, %mul3A_563 : i32
        %add3A_565 = arith.constant 2 : i32
        %add3A_566 = arith.addi %mul3A_564, %add3A_565 : i32
        %mul3A_567 = arith.constant 80 : i32
        %mul3A_568 = arith.muli %add3A_566, %mul3A_567 : i32
        %dma_start3A_569 = arith.constant 160 : i32
        %dma_start3A_570 = arith.constant 0 : i32
        %dma_start3A_571 = tpu.memref_slice %arg6[%dma_start3A_569, %dma_start3A_570] : memref<800x128xf32, #tpu.memory_space<vmem>> -> memref<80x128xf32, #tpu.memory_space<vmem>>
        %dma_start3A_572 = tpu.memref_slice %arg5[%mul3A_568] : memref<3200xi32, #tpu.memory_space<vmem>> -> memref<80xi32, #tpu.memory_space<vmem>>
        %dma_start3A_573 = arith.constant 0 : i32
        %dma_start3A_574 = arith.constant 0 : i32
        %dma_start3A_575 = tpu.memref_slice %arg2[%dma_start3A_573, %dma_start3A_574] : memref<50000x128xf32, #tpu.memory_space<hbm>> -> memref<50000x128xf32, #tpu.memory_space<hbm>>
        tpu.enqueue_indirect_dma source(%dma_start3A_575 : memref<50000x128xf32, #tpu.memory_space<hbm>>) target(%dma_start3A_571 : memref<80x128xf32, #tpu.memory_space<vmem>>) offsets(%dma_start3A_572 : memref<80xi32, #tpu.memory_space<vmem>>) semaphore(%arg9 : memref<!tpu.dma_semaphore, #tpu.memory_space<semaphore_mem>>)
        %add3A_576 = arith.constant 1 : i32
        %add3A_577 = arith.addi %scan3A_332, %add3A_576 : i32
        %mul3A_578 = arith.constant 10 : i32
        %mul3A_579 = arith.muli %add3A_577, %mul3A_578 : i32
        %add3A_580 = arith.constant 2 : i32
        %add3A_581 = arith.addi %mul3A_579, %add3A_580 : i32
        %add3A_582 = arith.constant 1 : i32
        %add3A_583 = arith.addi %add3A_581, %add3A_582 : i32
        %mul3A_584 = arith.constant 80 : i32
        %mul3A_585 = arith.muli %add3A_583, %mul3A_584 : i32
        %dma_start3A_586 = arith.constant 240 : i32
        %dma_start3A_587 = arith.constant 0 : i32
        %dma_start3A_588 = tpu.memref_slice %arg6[%dma_start3A_586, %dma_start3A_587] : memref<800x128xf32, #tpu.memory_space<vmem>> -> memref<80x128xf32, #tpu.memory_space<vmem>>
        %dma_start3A_589 = tpu.memref_slice %arg5[%mul3A_585] : memref<3200xi32, #tpu.memory_space<vmem>> -> memref<80xi32, #tpu.memory_space<vmem>>
        %dma_start3A_590 = arith.constant 0 : i32
        %dma_start3A_591 = arith.constant 0 : i32
        %dma_start3A_592 = tpu.memref_slice %arg2[%dma_start3A_590, %dma_start3A_591] : memref<50000x128xf32, #tpu.memory_space<hbm>> -> memref<50000x128xf32, #tpu.memory_space<hbm>>
        tpu.enqueue_indirect_dma source(%dma_start3A_592 : memref<50000x128xf32, #tpu.memory_space<hbm>>) target(%dma_start3A_588 : memref<80x128xf32, #tpu.memory_space<vmem>>) offsets(%dma_start3A_589 : memref<80xi32, #tpu.memory_space<vmem>>) semaphore(%arg10 : memref<!tpu.dma_semaphore, #tpu.memory_space<semaphore_mem>>)
        %dma_wait3A_593 = arith.constant 0 : i32
        %dma_wait3A_594 = arith.constant 0 : i32
        %dma_wait3A_595 = tpu.memref_slice %arg6[%dma_wait3A_593, %dma_wait3A_594] : memref<800x128xf32, #tpu.memory_space<vmem>> -> memref<80x128xf32, #tpu.memory_space<vmem>>
        %dma_wait3A_596 = arith.constant 0 : i32
        %dma_wait3A_597 = arith.constant 0 : i32
        %dma_wait3A_598 = tpu.memref_slice %arg2[%dma_wait3A_596, %dma_wait3A_597] : memref<50000x128xf32, #tpu.memory_space<hbm>> -> memref<80x128xf32, #tpu.memory_space<hbm>>
        %dma_wait3A_599 = arith.constant 0 : i32
        %dma_wait3A_600 = arith.constant 0 : i32
        %dma_wait3A_601 = tpu.memref_slice %arg6[%dma_wait3A_599, %dma_wait3A_600] : memref<800x128xf32, #tpu.memory_space<vmem>> -> memref<80x128xf32, #tpu.memory_space<vmem>>
        %dma_wait3A_602 = arith.constant 0 : i32
        %dma_wait3A_603 = arith.constant 0 : i32
        %dma_wait3A_604 = tpu.memref_slice %arg2[%dma_wait3A_602, %dma_wait3A_603] : memref<50000x128xf32, #tpu.memory_space<hbm>> -> memref<80x128xf32, #tpu.memory_space<hbm>>
        tpu.wait_dma2 semaphore(%arg15 : memref<!tpu.dma_semaphore, #tpu.memory_space<semaphore_mem>>) src(%dma_wait3A_604 : memref<80x128xf32, #tpu.memory_space<hbm>>) dst(%dma_wait3A_601 : memref<80x128xf32, #tpu.memory_space<vmem>>)
        %dma_wait3A_605 = arith.constant 0 : i32
        %dma_wait3A_606 = arith.constant 0 : i32
        %dma_wait3A_607 = tpu.memref_slice %arg6[%dma_wait3A_605, %dma_wait3A_606] : memref<800x128xf32, #tpu.memory_space<vmem>> -> memref<80x128xf32, #tpu.memory_space<vmem>>
        %dma_wait3A_608 = arith.constant 0 : i32
        %dma_wait3A_609 = arith.constant 0 : i32
        %dma_wait3A_610 = tpu.memref_slice %arg2[%dma_wait3A_608, %dma_wait3A_609] : memref<50000x128xf32, #tpu.memory_space<hbm>> -> memref<80x128xf32, #tpu.memory_space<hbm>>
        %dma_wait3A_611 = arith.constant 0 : i32
        %dma_wait3A_612 = arith.constant 0 : i32
        %dma_wait3A_613 = tpu.memref_slice %arg6[%dma_wait3A_611, %dma_wait3A_612] : memref<800x128xf32, #tpu.memory_space<vmem>> -> memref<80x128xf32, #tpu.memory_space<vmem>>
        %dma_wait3A_614 = arith.constant 0 : i32
        %dma_wait3A_615 = arith.constant 0 : i32
        %dma_wait3A_616 = tpu.memref_slice %arg2[%dma_wait3A_614, %dma_wait3A_615] : memref<50000x128xf32, #tpu.memory_space<hbm>> -> memref<80x128xf32, #tpu.memory_space<hbm>>
        tpu.wait_dma2 semaphore(%arg16 : memref<!tpu.dma_semaphore, #tpu.memory_space<semaphore_mem>>) src(%dma_wait3A_616 : memref<80x128xf32, #tpu.memory_space<hbm>>) dst(%dma_wait3A_613 : memref<80x128xf32, #tpu.memory_space<vmem>>)
        %mul3A_617 = arith.constant 5 : i32
        %mul3A_618 = arith.muli %scan3A_332, %mul3A_617 : i32
        %add3A_619 = arith.constant 4 : i32
        %add3A_620 = arith.addi %mul3A_618, %add3A_619 : i32
        %mul3A_621 = arith.constant 2 : i32
        %mul3A_622 = arith.muli %mul3A_621, %add3A_620 : i32
        %mul3A_623 = arith.constant 80 : i32
        %mul3A_624 = arith.muli %mul3A_622, %mul3A_623 : i32
        %add3A_625 = arith.addi %mul3A_2, %mul3A_624 : i32
        %dma_start3A_626 = arith.constant 640 : i32
        %dma_start3A_627 = arith.constant 0 : i32
        %dma_start3A_628 = tpu.memref_slice %arg6[%dma_start3A_626, %dma_start3A_627] : memref<800x128xf32, #tpu.memory_space<vmem>> -> memref<160x128xf32, #tpu.memory_space<vmem>>
        %dma_start3A_629 = arith.constant 0 : i32
        %dma_start3A_630 = tpu.memref_slice %arg4[%add3A_625, %dma_start3A_629] : memref<100000x128xf32, #tpu.memory_space<hbm>> -> memref<160x128xf32, #tpu.memory_space<hbm>>
        %dma_start3A_631 = arith.constant 0 : i32
        %dma_start3A_632 = tpu.memref_slice %arg4[%add3A_625, %dma_start3A_631] : memref<100000x128xf32, #tpu.memory_space<hbm>> -> memref<160x128xf32, #tpu.memory_space<hbm>>
        %dma_start3A_633 = arith.constant 640 : i32
        %dma_start3A_634 = arith.constant 0 : i32
        %dma_start3A_635 = tpu.memref_slice %arg6[%dma_start3A_633, %dma_start3A_634] : memref<800x128xf32, #tpu.memory_space<vmem>> -> memref<160x128xf32, #tpu.memory_space<vmem>>
        tpu.enqueue_dma source(%dma_start3A_635 : memref<160x128xf32, #tpu.memory_space<vmem>>) target(%dma_start3A_632 : memref<160x128xf32, #tpu.memory_space<hbm>>) target_semaphore(%arg21 : memref<!tpu.dma_semaphore, #tpu.memory_space<semaphore_mem>>)
        %dma_wait3A_636 = arith.constant 0 : i32
        %dma_wait3A_637 = arith.constant 0 : i32
        %dma_wait3A_638 = tpu.memref_slice %arg6[%dma_wait3A_636, %dma_wait3A_637] : memref<800x128xf32, #tpu.memory_space<vmem>> -> memref<160x128xf32, #tpu.memory_space<vmem>>
        %dma_wait3A_639 = arith.constant 0 : i32
        %dma_wait3A_640 = arith.constant 0 : i32
        %dma_wait3A_641 = tpu.memref_slice %arg2[%dma_wait3A_639, %dma_wait3A_640] : memref<50000x128xf32, #tpu.memory_space<hbm>> -> memref<160x128xf32, #tpu.memory_space<hbm>>
        %dma_wait3A_642 = arith.constant 0 : i32
        %dma_wait3A_643 = arith.constant 0 : i32
        %dma_wait3A_644 = tpu.memref_slice %arg6[%dma_wait3A_642, %dma_wait3A_643] : memref<800x128xf32, #tpu.memory_space<vmem>> -> memref<160x128xf32, #tpu.memory_space<vmem>>
        %dma_wait3A_645 = arith.constant 0 : i32
        %dma_wait3A_646 = arith.constant 0 : i32
        %dma_wait3A_647 = tpu.memref_slice %arg2[%dma_wait3A_645, %dma_wait3A_646] : memref<50000x128xf32, #tpu.memory_space<hbm>> -> memref<160x128xf32, #tpu.memory_space<hbm>>
        tpu.wait_dma2 semaphore(%arg19 : memref<!tpu.dma_semaphore, #tpu.memory_space<semaphore_mem>>) src(%dma_wait3A_647 : memref<160x128xf32, #tpu.memory_space<hbm>>) dst(%dma_wait3A_644 : memref<160x128xf32, #tpu.memory_space<vmem>>)
        %add3A_648 = arith.constant 1 : i32
        %add3A_649 = arith.addi %scan3A_332, %add3A_648 : i32
        %mul3A_650 = arith.constant 10 : i32
        %mul3A_651 = arith.muli %add3A_649, %mul3A_650 : i32
        %add3A_652 = arith.constant 4 : i32
        %add3A_653 = arith.addi %mul3A_651, %add3A_652 : i32
        %mul3A_654 = arith.constant 80 : i32
        %mul3A_655 = arith.muli %add3A_653, %mul3A_654 : i32
        %dma_start3A_656 = arith.constant 320 : i32
        %dma_start3A_657 = arith.constant 0 : i32
        %dma_start3A_658 = tpu.memref_slice %arg6[%dma_start3A_656, %dma_start3A_657] : memref<800x128xf32, #tpu.memory_space<vmem>> -> memref<80x128xf32, #tpu.memory_space<vmem>>
        %dma_start3A_659 = tpu.memref_slice %arg5[%mul3A_655] : memref<3200xi32, #tpu.memory_space<vmem>> -> memref<80xi32, #tpu.memory_space<vmem>>
        %dma_start3A_660 = arith.constant 0 : i32
        %dma_start3A_661 = arith.constant 0 : i32
        %dma_start3A_662 = tpu.memref_slice %arg2[%dma_start3A_660, %dma_start3A_661] : memref<50000x128xf32, #tpu.memory_space<hbm>> -> memref<50000x128xf32, #tpu.memory_space<hbm>>
        tpu.enqueue_indirect_dma source(%dma_start3A_662 : memref<50000x128xf32, #tpu.memory_space<hbm>>) target(%dma_start3A_658 : memref<80x128xf32, #tpu.memory_space<vmem>>) offsets(%dma_start3A_659 : memref<80xi32, #tpu.memory_space<vmem>>) semaphore(%arg11 : memref<!tpu.dma_semaphore, #tpu.memory_space<semaphore_mem>>)
        %add3A_663 = arith.constant 1 : i32
        %add3A_664 = arith.addi %scan3A_332, %add3A_663 : i32
        %mul3A_665 = arith.constant 10 : i32
        %mul3A_666 = arith.muli %add3A_664, %mul3A_665 : i32
        %add3A_667 = arith.constant 4 : i32
        %add3A_668 = arith.addi %mul3A_666, %add3A_667 : i32
        %add3A_669 = arith.constant 1 : i32
        %add3A_670 = arith.addi %add3A_668, %add3A_669 : i32
        %mul3A_671 = arith.constant 80 : i32
        %mul3A_672 = arith.muli %add3A_670, %mul3A_671 : i32
        %dma_start3A_673 = arith.constant 400 : i32
        %dma_start3A_674 = arith.constant 0 : i32
        %dma_start3A_675 = tpu.memref_slice %arg6[%dma_start3A_673, %dma_start3A_674] : memref<800x128xf32, #tpu.memory_space<vmem>> -> memref<80x128xf32, #tpu.memory_space<vmem>>
        %dma_start3A_676 = tpu.memref_slice %arg5[%mul3A_672] : memref<3200xi32, #tpu.memory_space<vmem>> -> memref<80xi32, #tpu.memory_space<vmem>>
        %dma_start3A_677 = arith.constant 0 : i32
        %dma_start3A_678 = arith.constant 0 : i32
        %dma_start3A_679 = tpu.memref_slice %arg2[%dma_start3A_677, %dma_start3A_678] : memref<50000x128xf32, #tpu.memory_space<hbm>> -> memref<50000x128xf32, #tpu.memory_space<hbm>>
        tpu.enqueue_indirect_dma source(%dma_start3A_679 : memref<50000x128xf32, #tpu.memory_space<hbm>>) target(%dma_start3A_675 : memref<80x128xf32, #tpu.memory_space<vmem>>) offsets(%dma_start3A_676 : memref<80xi32, #tpu.memory_space<vmem>>) semaphore(%arg12 : memref<!tpu.dma_semaphore, #tpu.memory_space<semaphore_mem>>)
        %dma_wait3A_680 = arith.constant 0 : i32
        %dma_wait3A_681 = arith.constant 0 : i32
        %dma_wait3A_682 = tpu.memref_slice %arg6[%dma_wait3A_680, %dma_wait3A_681] : memref<800x128xf32, #tpu.memory_space<vmem>> -> memref<160x128xf32, #tpu.memory_space<vmem>>
        %dma_wait3A_683 = arith.constant 0 : i32
        %dma_wait3A_684 = arith.constant 0 : i32
        %dma_wait3A_685 = tpu.memref_slice %arg2[%dma_wait3A_683, %dma_wait3A_684] : memref<50000x128xf32, #tpu.memory_space<hbm>> -> memref<160x128xf32, #tpu.memory_space<hbm>>
        %dma_wait3A_686 = arith.constant 0 : i32
        %dma_wait3A_687 = arith.constant 0 : i32
        %dma_wait3A_688 = tpu.memref_slice %arg6[%dma_wait3A_686, %dma_wait3A_687] : memref<800x128xf32, #tpu.memory_space<vmem>> -> memref<160x128xf32, #tpu.memory_space<vmem>>
        %dma_wait3A_689 = arith.constant 0 : i32
        %dma_wait3A_690 = arith.constant 0 : i32
        %dma_wait3A_691 = tpu.memref_slice %arg2[%dma_wait3A_689, %dma_wait3A_690] : memref<50000x128xf32, #tpu.memory_space<hbm>> -> memref<160x128xf32, #tpu.memory_space<hbm>>
        tpu.wait_dma2 semaphore(%arg20 : memref<!tpu.dma_semaphore, #tpu.memory_space<semaphore_mem>>) src(%dma_wait3A_691 : memref<160x128xf32, #tpu.memory_space<hbm>>) dst(%dma_wait3A_688 : memref<160x128xf32, #tpu.memory_space<vmem>>)
        %add3A_692 = arith.constant 1 : i32
        %add3A_693 = arith.addi %scan3A_332, %add3A_692 : i32
        %mul3A_694 = arith.constant 10 : i32
        %mul3A_695 = arith.muli %add3A_693, %mul3A_694 : i32
        %add3A_696 = arith.constant 6 : i32
        %add3A_697 = arith.addi %mul3A_695, %add3A_696 : i32
        %mul3A_698 = arith.constant 80 : i32
        %mul3A_699 = arith.muli %add3A_697, %mul3A_698 : i32
        %dma_start3A_700 = arith.constant 480 : i32
        %dma_start3A_701 = arith.constant 0 : i32
        %dma_start3A_702 = tpu.memref_slice %arg6[%dma_start3A_700, %dma_start3A_701] : memref<800x128xf32, #tpu.memory_space<vmem>> -> memref<80x128xf32, #tpu.memory_space<vmem>>
        %dma_start3A_703 = tpu.memref_slice %arg5[%mul3A_699] : memref<3200xi32, #tpu.memory_space<vmem>> -> memref<80xi32, #tpu.memory_space<vmem>>
        %dma_start3A_704 = arith.constant 0 : i32
        %dma_start3A_705 = arith.constant 0 : i32
        %dma_start3A_706 = tpu.memref_slice %arg2[%dma_start3A_704, %dma_start3A_705] : memref<50000x128xf32, #tpu.memory_space<hbm>> -> memref<50000x128xf32, #tpu.memory_space<hbm>>
        tpu.enqueue_indirect_dma source(%dma_start3A_706 : memref<50000x128xf32, #tpu.memory_space<hbm>>) target(%dma_start3A_702 : memref<80x128xf32, #tpu.memory_space<vmem>>) offsets(%dma_start3A_703 : memref<80xi32, #tpu.memory_space<vmem>>) semaphore(%arg13 : memref<!tpu.dma_semaphore, #tpu.memory_space<semaphore_mem>>)
        %add3A_707 = arith.constant 1 : i32
        %add3A_708 = arith.addi %scan3A_332, %add3A_707 : i32
        %mul3A_709 = arith.constant 10 : i32
        %mul3A_710 = arith.muli %add3A_708, %mul3A_709 : i32
        %add3A_711 = arith.constant 6 : i32
        %add3A_712 = arith.addi %mul3A_710, %add3A_711 : i32
        %add3A_713 = arith.constant 1 : i32
        %add3A_714 = arith.addi %add3A_712, %add3A_713 : i32
        %mul3A_715 = arith.constant 80 : i32
        %mul3A_716 = arith.muli %add3A_714, %mul3A_715 : i32
        %dma_start3A_717 = arith.constant 560 : i32
        %dma_start3A_718 = arith.constant 0 : i32
        %dma_start3A_719 = tpu.memref_slice %arg6[%dma_start3A_717, %dma_start3A_718] : memref<800x128xf32, #tpu.memory_space<vmem>> -> memref<80x128xf32, #tpu.memory_space<vmem>>
        %dma_start3A_720 = tpu.memref_slice %arg5[%mul3A_716] : memref<3200xi32, #tpu.memory_space<vmem>> -> memref<80xi32, #tpu.memory_space<vmem>>
        %dma_start3A_721 = arith.constant 0 : i32
        %dma_start3A_722 = arith.constant 0 : i32
        %dma_start3A_723 = tpu.memref_slice %arg2[%dma_start3A_721, %dma_start3A_722] : memref<50000x128xf32, #tpu.memory_space<hbm>> -> memref<50000x128xf32, #tpu.memory_space<hbm>>
        tpu.enqueue_indirect_dma source(%dma_start3A_723 : memref<50000x128xf32, #tpu.memory_space<hbm>>) target(%dma_start3A_719 : memref<80x128xf32, #tpu.memory_space<vmem>>) offsets(%dma_start3A_720 : memref<80xi32, #tpu.memory_space<vmem>>) semaphore(%arg14 : memref<!tpu.dma_semaphore, #tpu.memory_space<semaphore_mem>>)
        %dma_wait3A_724 = arith.constant 0 : i32
        %dma_wait3A_725 = arith.constant 0 : i32
        %dma_wait3A_726 = tpu.memref_slice %arg6[%dma_wait3A_724, %dma_wait3A_725] : memref<800x128xf32, #tpu.memory_space<vmem>> -> memref<160x128xf32, #tpu.memory_space<vmem>>
        %dma_wait3A_727 = arith.constant 0 : i32
        %dma_wait3A_728 = arith.constant 0 : i32
        %dma_wait3A_729 = tpu.memref_slice %arg2[%dma_wait3A_727, %dma_wait3A_728] : memref<50000x128xf32, #tpu.memory_space<hbm>> -> memref<160x128xf32, #tpu.memory_space<hbm>>
        %dma_wait3A_730 = arith.constant 0 : i32
        %dma_wait3A_731 = arith.constant 0 : i32
        %dma_wait3A_732 = tpu.memref_slice %arg6[%dma_wait3A_730, %dma_wait3A_731] : memref<800x128xf32, #tpu.memory_space<vmem>> -> memref<160x128xf32, #tpu.memory_space<vmem>>
        %dma_wait3A_733 = arith.constant 0 : i32
        %dma_wait3A_734 = arith.constant 0 : i32
        %dma_wait3A_735 = tpu.memref_slice %arg2[%dma_wait3A_733, %dma_wait3A_734] : memref<50000x128xf32, #tpu.memory_space<hbm>> -> memref<160x128xf32, #tpu.memory_space<hbm>>
        tpu.wait_dma2 semaphore(%arg21 : memref<!tpu.dma_semaphore, #tpu.memory_space<semaphore_mem>>) src(%dma_wait3A_735 : memref<160x128xf32, #tpu.memory_space<hbm>>) dst(%dma_wait3A_732 : memref<160x128xf32, #tpu.memory_space<vmem>>)
        %add3A_736 = arith.constant 1 : i32
        %add3A_737 = arith.addi %scan3A_332, %add3A_736 : i32
        %mul3A_738 = arith.constant 10 : i32
        %mul3A_739 = arith.muli %add3A_737, %mul3A_738 : i32
        %add3A_740 = arith.constant 8 : i32
        %add3A_741 = arith.addi %mul3A_739, %add3A_740 : i32
        %mul3A_742 = arith.constant 80 : i32
        %mul3A_743 = arith.muli %add3A_741, %mul3A_742 : i32
        %dma_start3A_744 = arith.constant 640 : i32
        %dma_start3A_745 = arith.constant 0 : i32
        %dma_start3A_746 = tpu.memref_slice %arg6[%dma_start3A_744, %dma_start3A_745] : memref<800x128xf32, #tpu.memory_space<vmem>> -> memref<80x128xf32, #tpu.memory_space<vmem>>
        %dma_start3A_747 = tpu.memref_slice %arg5[%mul3A_743] : memref<3200xi32, #tpu.memory_space<vmem>> -> memref<80xi32, #tpu.memory_space<vmem>>
        %dma_start3A_748 = arith.constant 0 : i32
        %dma_start3A_749 = arith.constant 0 : i32
        %dma_start3A_750 = tpu.memref_slice %arg2[%dma_start3A_748, %dma_start3A_749] : memref<50000x128xf32, #tpu.memory_space<hbm>> -> memref<50000x128xf32, #tpu.memory_space<hbm>>
        tpu.enqueue_indirect_dma source(%dma_start3A_750 : memref<50000x128xf32, #tpu.memory_space<hbm>>) target(%dma_start3A_746 : memref<80x128xf32, #tpu.memory_space<vmem>>) offsets(%dma_start3A_747 : memref<80xi32, #tpu.memory_space<vmem>>) semaphore(%arg15 : memref<!tpu.dma_semaphore, #tpu.memory_space<semaphore_mem>>)
        %add3A_751 = arith.constant 1 : i32
        %add3A_752 = arith.addi %scan3A_332, %add3A_751 : i32
        %mul3A_753 = arith.constant 10 : i32
        %mul3A_754 = arith.muli %add3A_752, %mul3A_753 : i32
        %add3A_755 = arith.constant 8 : i32
        %add3A_756 = arith.addi %mul3A_754, %add3A_755 : i32
        %add3A_757 = arith.constant 1 : i32
        %add3A_758 = arith.addi %add3A_756, %add3A_757 : i32
        %mul3A_759 = arith.constant 80 : i32
        %mul3A_760 = arith.muli %add3A_758, %mul3A_759 : i32
        %dma_start3A_761 = arith.constant 720 : i32
        %dma_start3A_762 = arith.constant 0 : i32
        %dma_start3A_763 = tpu.memref_slice %arg6[%dma_start3A_761, %dma_start3A_762] : memref<800x128xf32, #tpu.memory_space<vmem>> -> memref<80x128xf32, #tpu.memory_space<vmem>>
        %dma_start3A_764 = tpu.memref_slice %arg5[%mul3A_760] : memref<3200xi32, #tpu.memory_space<vmem>> -> memref<80xi32, #tpu.memory_space<vmem>>
        %dma_start3A_765 = arith.constant 0 : i32
        %dma_start3A_766 = arith.constant 0 : i32
        %dma_start3A_767 = tpu.memref_slice %arg2[%dma_start3A_765, %dma_start3A_766] : memref<50000x128xf32, #tpu.memory_space<hbm>> -> memref<50000x128xf32, #tpu.memory_space<hbm>>
        tpu.enqueue_indirect_dma source(%dma_start3A_767 : memref<50000x128xf32, #tpu.memory_space<hbm>>) target(%dma_start3A_763 : memref<80x128xf32, #tpu.memory_space<vmem>>) offsets(%dma_start3A_764 : memref<80xi32, #tpu.memory_space<vmem>>) semaphore(%arg16 : memref<!tpu.dma_semaphore, #tpu.memory_space<semaphore_mem>>)
      }
      %scan3A_92 = arith.constant 3 : i32
      %dma_wait3A = arith.constant 0 : i32
      %dma_wait3A_93 = arith.constant 0 : i32
      %dma_wait3A_94 = tpu.memref_slice %arg6[%dma_wait3A, %dma_wait3A_93] : memref<800x128xf32, #tpu.memory_space<vmem>> -> memref<80x128xf32, #tpu.memory_space<vmem>>
      %dma_wait3A_95 = arith.constant 0 : i32
      %dma_wait3A_96 = arith.constant 0 : i32
      %dma_wait3A_97 = tpu.memref_slice %arg2[%dma_wait3A_95, %dma_wait3A_96] : memref<50000x128xf32, #tpu.memory_space<hbm>> -> memref<80x128xf32, #tpu.memory_space<hbm>>
      %dma_wait3A_98 = arith.constant 0 : i32
      %dma_wait3A_99 = arith.constant 0 : i32
      %dma_wait3A_100 = tpu.memref_slice %arg6[%dma_wait3A_98, %dma_wait3A_99] : memref<800x128xf32, #tpu.memory_space<vmem>> -> memref<80x128xf32, #tpu.memory_space<vmem>>
      %dma_wait3A_101 = arith.constant 0 : i32
      %dma_wait3A_102 = arith.constant 0 : i32
      %dma_wait3A_103 = tpu.memref_slice %arg2[%dma_wait3A_101, %dma_wait3A_102] : memref<50000x128xf32, #tpu.memory_space<hbm>> -> memref<80x128xf32, #tpu.memory_space<hbm>>
      tpu.wait_dma2 semaphore(%arg7 : memref<!tpu.dma_semaphore, #tpu.memory_space<semaphore_mem>>) src(%dma_wait3A_103 : memref<80x128xf32, #tpu.memory_space<hbm>>) dst(%dma_wait3A_100 : memref<80x128xf32, #tpu.memory_space<vmem>>)
      %dma_wait3A_104 = arith.constant 0 : i32
      %dma_wait3A_105 = arith.constant 0 : i32
      %dma_wait3A_106 = tpu.memref_slice %arg6[%dma_wait3A_104, %dma_wait3A_105] : memref<800x128xf32, #tpu.memory_space<vmem>> -> memref<80x128xf32, #tpu.memory_space<vmem>>
      %dma_wait3A_107 = arith.constant 0 : i32
      %dma_wait3A_108 = arith.constant 0 : i32
      %dma_wait3A_109 = tpu.memref_slice %arg2[%dma_wait3A_107, %dma_wait3A_108] : memref<50000x128xf32, #tpu.memory_space<hbm>> -> memref<80x128xf32, #tpu.memory_space<hbm>>
      %dma_wait3A_110 = arith.constant 0 : i32
      %dma_wait3A_111 = arith.constant 0 : i32
      %dma_wait3A_112 = tpu.memref_slice %arg6[%dma_wait3A_110, %dma_wait3A_111] : memref<800x128xf32, #tpu.memory_space<vmem>> -> memref<80x128xf32, #tpu.memory_space<vmem>>
      %dma_wait3A_113 = arith.constant 0 : i32
      %dma_wait3A_114 = arith.constant 0 : i32
      %dma_wait3A_115 = tpu.memref_slice %arg2[%dma_wait3A_113, %dma_wait3A_114] : memref<50000x128xf32, #tpu.memory_space<hbm>> -> memref<80x128xf32, #tpu.memory_space<hbm>>
      tpu.wait_dma2 semaphore(%arg8 : memref<!tpu.dma_semaphore, #tpu.memory_space<semaphore_mem>>) src(%dma_wait3A_115 : memref<80x128xf32, #tpu.memory_space<hbm>>) dst(%dma_wait3A_112 : memref<80x128xf32, #tpu.memory_space<vmem>>)
      %add3A_116 = arith.constant 2400 : i32
      %add3A_117 = arith.addi %mul3A_2, %add3A_116 : i32
      %dma_start3A_118 = arith.constant 0 : i32
      %dma_start3A_119 = arith.constant 0 : i32
      %dma_start3A_120 = tpu.memref_slice %arg6[%dma_start3A_118, %dma_start3A_119] : memref<800x128xf32, #tpu.memory_space<vmem>> -> memref<160x128xf32, #tpu.memory_space<vmem>>
      %dma_start3A_121 = arith.constant 0 : i32
      %dma_start3A_122 = tpu.memref_slice %arg4[%add3A_117, %dma_start3A_121] : memref<100000x128xf32, #tpu.memory_space<hbm>> -> memref<160x128xf32, #tpu.memory_space<hbm>>
      %dma_start3A_123 = arith.constant 0 : i32
      %dma_start3A_124 = tpu.memref_slice %arg4[%add3A_117, %dma_start3A_123] : memref<100000x128xf32, #tpu.memory_space<hbm>> -> memref<160x128xf32, #tpu.memory_space<hbm>>
      %dma_start3A_125 = arith.constant 0 : i32
      %dma_start3A_126 = arith.constant 0 : i32
      %dma_start3A_127 = tpu.memref_slice %arg6[%dma_start3A_125, %dma_start3A_126] : memref<800x128xf32, #tpu.memory_space<vmem>> -> memref<160x128xf32, #tpu.memory_space<vmem>>
      tpu.enqueue_dma source(%dma_start3A_127 : memref<160x128xf32, #tpu.memory_space<vmem>>) target(%dma_start3A_124 : memref<160x128xf32, #tpu.memory_space<hbm>>) target_semaphore(%arg17 : memref<!tpu.dma_semaphore, #tpu.memory_space<semaphore_mem>>)
      %dma_wait3A_128 = arith.constant 0 : i32
      %dma_wait3A_129 = arith.constant 0 : i32
      %dma_wait3A_130 = tpu.memref_slice %arg6[%dma_wait3A_128, %dma_wait3A_129] : memref<800x128xf32, #tpu.memory_space<vmem>> -> memref<80x128xf32, #tpu.memory_space<vmem>>
      %dma_wait3A_131 = arith.constant 0 : i32
      %dma_wait3A_132 = arith.constant 0 : i32
      %dma_wait3A_133 = tpu.memref_slice %arg2[%dma_wait3A_131, %dma_wait3A_132] : memref<50000x128xf32, #tpu.memory_space<hbm>> -> memref<80x128xf32, #tpu.memory_space<hbm>>
      %dma_wait3A_134 = arith.constant 0 : i32
      %dma_wait3A_135 = arith.constant 0 : i32
      %dma_wait3A_136 = tpu.memref_slice %arg6[%dma_wait3A_134, %dma_wait3A_135] : memref<800x128xf32, #tpu.memory_space<vmem>> -> memref<80x128xf32, #tpu.memory_space<vmem>>
      %dma_wait3A_137 = arith.constant 0 : i32
      %dma_wait3A_138 = arith.constant 0 : i32
      %dma_wait3A_139 = tpu.memref_slice %arg2[%dma_wait3A_137, %dma_wait3A_138] : memref<50000x128xf32, #tpu.memory_space<hbm>> -> memref<80x128xf32, #tpu.memory_space<hbm>>
      tpu.wait_dma2 semaphore(%arg9 : memref<!tpu.dma_semaphore, #tpu.memory_space<semaphore_mem>>) src(%dma_wait3A_139 : memref<80x128xf32, #tpu.memory_space<hbm>>) dst(%dma_wait3A_136 : memref<80x128xf32, #tpu.memory_space<vmem>>)
      %dma_wait3A_140 = arith.constant 0 : i32
      %dma_wait3A_141 = arith.constant 0 : i32
      %dma_wait3A_142 = tpu.memref_slice %arg6[%dma_wait3A_140, %dma_wait3A_141] : memref<800x128xf32, #tpu.memory_space<vmem>> -> memref<80x128xf32, #tpu.memory_space<vmem>>
      %dma_wait3A_143 = arith.constant 0 : i32
      %dma_wait3A_144 = arith.constant 0 : i32
      %dma_wait3A_145 = tpu.memref_slice %arg2[%dma_wait3A_143, %dma_wait3A_144] : memref<50000x128xf32, #tpu.memory_space<hbm>> -> memref<80x128xf32, #tpu.memory_space<hbm>>
      %dma_wait3A_146 = arith.constant 0 : i32
      %dma_wait3A_147 = arith.constant 0 : i32
      %dma_wait3A_148 = tpu.memref_slice %arg6[%dma_wait3A_146, %dma_wait3A_147] : memref<800x128xf32, #tpu.memory_space<vmem>> -> memref<80x128xf32, #tpu.memory_space<vmem>>
      %dma_wait3A_149 = arith.constant 0 : i32
      %dma_wait3A_150 = arith.constant 0 : i32
      %dma_wait3A_151 = tpu.memref_slice %arg2[%dma_wait3A_149, %dma_wait3A_150] : memref<50000x128xf32, #tpu.memory_space<hbm>> -> memref<80x128xf32, #tpu.memory_space<hbm>>
      tpu.wait_dma2 semaphore(%arg10 : memref<!tpu.dma_semaphore, #tpu.memory_space<semaphore_mem>>) src(%dma_wait3A_151 : memref<80x128xf32, #tpu.memory_space<hbm>>) dst(%dma_wait3A_148 : memref<80x128xf32, #tpu.memory_space<vmem>>)
      %add3A_152 = arith.constant 2560 : i32
      %add3A_153 = arith.addi %mul3A_2, %add3A_152 : i32
      %dma_start3A_154 = arith.constant 160 : i32
      %dma_start3A_155 = arith.constant 0 : i32
      %dma_start3A_156 = tpu.memref_slice %arg6[%dma_start3A_154, %dma_start3A_155] : memref<800x128xf32, #tpu.memory_space<vmem>> -> memref<160x128xf32, #tpu.memory_space<vmem>>
      %dma_start3A_157 = arith.constant 0 : i32
      %dma_start3A_158 = tpu.memref_slice %arg4[%add3A_153, %dma_start3A_157] : memref<100000x128xf32, #tpu.memory_space<hbm>> -> memref<160x128xf32, #tpu.memory_space<hbm>>
      %dma_start3A_159 = arith.constant 0 : i32
      %dma_start3A_160 = tpu.memref_slice %arg4[%add3A_153, %dma_start3A_159] : memref<100000x128xf32, #tpu.memory_space<hbm>> -> memref<160x128xf32, #tpu.memory_space<hbm>>
      %dma_start3A_161 = arith.constant 160 : i32
      %dma_start3A_162 = arith.constant 0 : i32
      %dma_start3A_163 = tpu.memref_slice %arg6[%dma_start3A_161, %dma_start3A_162] : memref<800x128xf32, #tpu.memory_space<vmem>> -> memref<160x128xf32, #tpu.memory_space<vmem>>
      tpu.enqueue_dma source(%dma_start3A_163 : memref<160x128xf32, #tpu.memory_space<vmem>>) target(%dma_start3A_160 : memref<160x128xf32, #tpu.memory_space<hbm>>) target_semaphore(%arg18 : memref<!tpu.dma_semaphore, #tpu.memory_space<semaphore_mem>>)
      %dma_wait3A_164 = arith.constant 0 : i32
      %dma_wait3A_165 = arith.constant 0 : i32
      %dma_wait3A_166 = tpu.memref_slice %arg6[%dma_wait3A_164, %dma_wait3A_165] : memref<800x128xf32, #tpu.memory_space<vmem>> -> memref<80x128xf32, #tpu.memory_space<vmem>>
      %dma_wait3A_167 = arith.constant 0 : i32
      %dma_wait3A_168 = arith.constant 0 : i32
      %dma_wait3A_169 = tpu.memref_slice %arg2[%dma_wait3A_167, %dma_wait3A_168] : memref<50000x128xf32, #tpu.memory_space<hbm>> -> memref<80x128xf32, #tpu.memory_space<hbm>>
      %dma_wait3A_170 = arith.constant 0 : i32
      %dma_wait3A_171 = arith.constant 0 : i32
      %dma_wait3A_172 = tpu.memref_slice %arg6[%dma_wait3A_170, %dma_wait3A_171] : memref<800x128xf32, #tpu.memory_space<vmem>> -> memref<80x128xf32, #tpu.memory_space<vmem>>
      %dma_wait3A_173 = arith.constant 0 : i32
      %dma_wait3A_174 = arith.constant 0 : i32
      %dma_wait3A_175 = tpu.memref_slice %arg2[%dma_wait3A_173, %dma_wait3A_174] : memref<50000x128xf32, #tpu.memory_space<hbm>> -> memref<80x128xf32, #tpu.memory_space<hbm>>
      tpu.wait_dma2 semaphore(%arg11 : memref<!tpu.dma_semaphore, #tpu.memory_space<semaphore_mem>>) src(%dma_wait3A_175 : memref<80x128xf32, #tpu.memory_space<hbm>>) dst(%dma_wait3A_172 : memref<80x128xf32, #tpu.memory_space<vmem>>)
      %dma_wait3A_176 = arith.constant 0 : i32
      %dma_wait3A_177 = arith.constant 0 : i32
      %dma_wait3A_178 = tpu.memref_slice %arg6[%dma_wait3A_176, %dma_wait3A_177] : memref<800x128xf32, #tpu.memory_space<vmem>> -> memref<80x128xf32, #tpu.memory_space<vmem>>
      %dma_wait3A_179 = arith.constant 0 : i32
      %dma_wait3A_180 = arith.constant 0 : i32
      %dma_wait3A_181 = tpu.memref_slice %arg2[%dma_wait3A_179, %dma_wait3A_180] : memref<50000x128xf32, #tpu.memory_space<hbm>> -> memref<80x128xf32, #tpu.memory_space<hbm>>
      %dma_wait3A_182 = arith.constant 0 : i32
      %dma_wait3A_183 = arith.constant 0 : i32
      %dma_wait3A_184 = tpu.memref_slice %arg6[%dma_wait3A_182, %dma_wait3A_183] : memref<800x128xf32, #tpu.memory_space<vmem>> -> memref<80x128xf32, #tpu.memory_space<vmem>>
      %dma_wait3A_185 = arith.constant 0 : i32
      %dma_wait3A_186 = arith.constant 0 : i32
      %dma_wait3A_187 = tpu.memref_slice %arg2[%dma_wait3A_185, %dma_wait3A_186] : memref<50000x128xf32, #tpu.memory_space<hbm>> -> memref<80x128xf32, #tpu.memory_space<hbm>>
      tpu.wait_dma2 semaphore(%arg12 : memref<!tpu.dma_semaphore, #tpu.memory_space<semaphore_mem>>) src(%dma_wait3A_187 : memref<80x128xf32, #tpu.memory_space<hbm>>) dst(%dma_wait3A_184 : memref<80x128xf32, #tpu.memory_space<vmem>>)
      %add3A_188 = arith.constant 2720 : i32
      %add3A_189 = arith.addi %mul3A_2, %add3A_188 : i32
      %dma_start3A_190 = arith.constant 320 : i32
      %dma_start3A_191 = arith.constant 0 : i32
      %dma_start3A_192 = tpu.memref_slice %arg6[%dma_start3A_190, %dma_start3A_191] : memref<800x128xf32, #tpu.memory_space<vmem>> -> memref<160x128xf32, #tpu.memory_space<vmem>>
      %dma_start3A_193 = arith.constant 0 : i32
      %dma_start3A_194 = tpu.memref_slice %arg4[%add3A_189, %dma_start3A_193] : memref<100000x128xf32, #tpu.memory_space<hbm>> -> memref<160x128xf32, #tpu.memory_space<hbm>>
      %dma_start3A_195 = arith.constant 0 : i32
      %dma_start3A_196 = tpu.memref_slice %arg4[%add3A_189, %dma_start3A_195] : memref<100000x128xf32, #tpu.memory_space<hbm>> -> memref<160x128xf32, #tpu.memory_space<hbm>>
      %dma_start3A_197 = arith.constant 320 : i32
      %dma_start3A_198 = arith.constant 0 : i32
      %dma_start3A_199 = tpu.memref_slice %arg6[%dma_start3A_197, %dma_start3A_198] : memref<800x128xf32, #tpu.memory_space<vmem>> -> memref<160x128xf32, #tpu.memory_space<vmem>>
      tpu.enqueue_dma source(%dma_start3A_199 : memref<160x128xf32, #tpu.memory_space<vmem>>) target(%dma_start3A_196 : memref<160x128xf32, #tpu.memory_space<hbm>>) target_semaphore(%arg19 : memref<!tpu.dma_semaphore, #tpu.memory_space<semaphore_mem>>)
      %dma_wait3A_200 = arith.constant 0 : i32
      %dma_wait3A_201 = arith.constant 0 : i32
      %dma_wait3A_202 = tpu.memref_slice %arg6[%dma_wait3A_200, %dma_wait3A_201] : memref<800x128xf32, #tpu.memory_space<vmem>> -> memref<80x128xf32, #tpu.memory_space<vmem>>
      %dma_wait3A_203 = arith.constant 0 : i32
      %dma_wait3A_204 = arith.constant 0 : i32
      %dma_wait3A_205 = tpu.memref_slice %arg2[%dma_wait3A_203, %dma_wait3A_204] : memref<50000x128xf32, #tpu.memory_space<hbm>> -> memref<80x128xf32, #tpu.memory_space<hbm>>
      %dma_wait3A_206 = arith.constant 0 : i32
      %dma_wait3A_207 = arith.constant 0 : i32
      %dma_wait3A_208 = tpu.memref_slice %arg6[%dma_wait3A_206, %dma_wait3A_207] : memref<800x128xf32, #tpu.memory_space<vmem>> -> memref<80x128xf32, #tpu.memory_space<vmem>>
      %dma_wait3A_209 = arith.constant 0 : i32
      %dma_wait3A_210 = arith.constant 0 : i32
      %dma_wait3A_211 = tpu.memref_slice %arg2[%dma_wait3A_209, %dma_wait3A_210] : memref<50000x128xf32, #tpu.memory_space<hbm>> -> memref<80x128xf32, #tpu.memory_space<hbm>>
      tpu.wait_dma2 semaphore(%arg13 : memref<!tpu.dma_semaphore, #tpu.memory_space<semaphore_mem>>) src(%dma_wait3A_211 : memref<80x128xf32, #tpu.memory_space<hbm>>) dst(%dma_wait3A_208 : memref<80x128xf32, #tpu.memory_space<vmem>>)
      %dma_wait3A_212 = arith.constant 0 : i32
      %dma_wait3A_213 = arith.constant 0 : i32
      %dma_wait3A_214 = tpu.memref_slice %arg6[%dma_wait3A_212, %dma_wait3A_213] : memref<800x128xf32, #tpu.memory_space<vmem>> -> memref<80x128xf32, #tpu.memory_space<vmem>>
      %dma_wait3A_215 = arith.constant 0 : i32
      %dma_wait3A_216 = arith.constant 0 : i32
      %dma_wait3A_217 = tpu.memref_slice %arg2[%dma_wait3A_215, %dma_wait3A_216] : memref<50000x128xf32, #tpu.memory_space<hbm>> -> memref<80x128xf32, #tpu.memory_space<hbm>>
      %dma_wait3A_218 = arith.constant 0 : i32
      %dma_wait3A_219 = arith.constant 0 : i32
      %dma_wait3A_220 = tpu.memref_slice %arg6[%dma_wait3A_218, %dma_wait3A_219] : memref<800x128xf32, #tpu.memory_space<vmem>> -> memref<80x128xf32, #tpu.memory_space<vmem>>
      %dma_wait3A_221 = arith.constant 0 : i32
      %dma_wait3A_222 = arith.constant 0 : i32
      %dma_wait3A_223 = tpu.memref_slice %arg2[%dma_wait3A_221, %dma_wait3A_222] : memref<50000x128xf32, #tpu.memory_space<hbm>> -> memref<80x128xf32, #tpu.memory_space<hbm>>
      tpu.wait_dma2 semaphore(%arg14 : memref<!tpu.dma_semaphore, #tpu.memory_space<semaphore_mem>>) src(%dma_wait3A_223 : memref<80x128xf32, #tpu.memory_space<hbm>>) dst(%dma_wait3A_220 : memref<80x128xf32, #tpu.memory_space<vmem>>)
      %add3A_224 = arith.constant 2880 : i32
      %add3A_225 = arith.addi %mul3A_2, %add3A_224 : i32
      %dma_start3A_226 = arith.constant 480 : i32
      %dma_start3A_227 = arith.constant 0 : i32
      %dma_start3A_228 = tpu.memref_slice %arg6[%dma_start3A_226, %dma_start3A_227] : memref<800x128xf32, #tpu.memory_space<vmem>> -> memref<160x128xf32, #tpu.memory_space<vmem>>
      %dma_start3A_229 = arith.constant 0 : i32
      %dma_start3A_230 = tpu.memref_slice %arg4[%add3A_225, %dma_start3A_229] : memref<100000x128xf32, #tpu.memory_space<hbm>> -> memref<160x128xf32, #tpu.memory_space<hbm>>
      %dma_start3A_231 = arith.constant 0 : i32
      %dma_start3A_232 = tpu.memref_slice %arg4[%add3A_225, %dma_start3A_231] : memref<100000x128xf32, #tpu.memory_space<hbm>> -> memref<160x128xf32, #tpu.memory_space<hbm>>
      %dma_start3A_233 = arith.constant 480 : i32
      %dma_start3A_234 = arith.constant 0 : i32
      %dma_start3A_235 = tpu.memref_slice %arg6[%dma_start3A_233, %dma_start3A_234] : memref<800x128xf32, #tpu.memory_space<vmem>> -> memref<160x128xf32, #tpu.memory_space<vmem>>
      tpu.enqueue_dma source(%dma_start3A_235 : memref<160x128xf32, #tpu.memory_space<vmem>>) target(%dma_start3A_232 : memref<160x128xf32, #tpu.memory_space<hbm>>) target_semaphore(%arg20 : memref<!tpu.dma_semaphore, #tpu.memory_space<semaphore_mem>>)
      %dma_wait3A_236 = arith.constant 0 : i32
      %dma_wait3A_237 = arith.constant 0 : i32
      %dma_wait3A_238 = tpu.memref_slice %arg6[%dma_wait3A_236, %dma_wait3A_237] : memref<800x128xf32, #tpu.memory_space<vmem>> -> memref<80x128xf32, #tpu.memory_space<vmem>>
      %dma_wait3A_239 = arith.constant 0 : i32
      %dma_wait3A_240 = arith.constant 0 : i32
      %dma_wait3A_241 = tpu.memref_slice %arg2[%dma_wait3A_239, %dma_wait3A_240] : memref<50000x128xf32, #tpu.memory_space<hbm>> -> memref<80x128xf32, #tpu.memory_space<hbm>>
      %dma_wait3A_242 = arith.constant 0 : i32
      %dma_wait3A_243 = arith.constant 0 : i32
      %dma_wait3A_244 = tpu.memref_slice %arg6[%dma_wait3A_242, %dma_wait3A_243] : memref<800x128xf32, #tpu.memory_space<vmem>> -> memref<80x128xf32, #tpu.memory_space<vmem>>
      %dma_wait3A_245 = arith.constant 0 : i32
      %dma_wait3A_246 = arith.constant 0 : i32
      %dma_wait3A_247 = tpu.memref_slice %arg2[%dma_wait3A_245, %dma_wait3A_246] : memref<50000x128xf32, #tpu.memory_space<hbm>> -> memref<80x128xf32, #tpu.memory_space<hbm>>
      tpu.wait_dma2 semaphore(%arg15 : memref<!tpu.dma_semaphore, #tpu.memory_space<semaphore_mem>>) src(%dma_wait3A_247 : memref<80x128xf32, #tpu.memory_space<hbm>>) dst(%dma_wait3A_244 : memref<80x128xf32, #tpu.memory_space<vmem>>)
      %dma_wait3A_248 = arith.constant 0 : i32
      %dma_wait3A_249 = arith.constant 0 : i32
      %dma_wait3A_250 = tpu.memref_slice %arg6[%dma_wait3A_248, %dma_wait3A_249] : memref<800x128xf32, #tpu.memory_space<vmem>> -> memref<80x128xf32, #tpu.memory_space<vmem>>
      %dma_wait3A_251 = arith.constant 0 : i32
      %dma_wait3A_252 = arith.constant 0 : i32
      %dma_wait3A_253 = tpu.memref_slice %arg2[%dma_wait3A_251, %dma_wait3A_252] : memref<50000x128xf32, #tpu.memory_space<hbm>> -> memref<80x128xf32, #tpu.memory_space<hbm>>
      %dma_wait3A_254 = arith.constant 0 : i32
      %dma_wait3A_255 = arith.constant 0 : i32
      %dma_wait3A_256 = tpu.memref_slice %arg6[%dma_wait3A_254, %dma_wait3A_255] : memref<800x128xf32, #tpu.memory_space<vmem>> -> memref<80x128xf32, #tpu.memory_space<vmem>>
      %dma_wait3A_257 = arith.constant 0 : i32
      %dma_wait3A_258 = arith.constant 0 : i32
      %dma_wait3A_259 = tpu.memref_slice %arg2[%dma_wait3A_257, %dma_wait3A_258] : memref<50000x128xf32, #tpu.memory_space<hbm>> -> memref<80x128xf32, #tpu.memory_space<hbm>>
      tpu.wait_dma2 semaphore(%arg16 : memref<!tpu.dma_semaphore, #tpu.memory_space<semaphore_mem>>) src(%dma_wait3A_259 : memref<80x128xf32, #tpu.memory_space<hbm>>) dst(%dma_wait3A_256 : memref<80x128xf32, #tpu.memory_space<vmem>>)
      %add3A_260 = arith.constant 3040 : i32
      %add3A_261 = arith.addi %mul3A_2, %add3A_260 : i32
      %dma_start3A_262 = arith.constant 640 : i32
      %dma_start3A_263 = arith.constant 0 : i32
      %dma_start3A_264 = tpu.memref_slice %arg6[%dma_start3A_262, %dma_start3A_263] : memref<800x128xf32, #tpu.memory_space<vmem>> -> memref<160x128xf32, #tpu.memory_space<vmem>>
      %dma_start3A_265 = arith.constant 0 : i32
      %dma_start3A_266 = tpu.memref_slice %arg4[%add3A_261, %dma_start3A_265] : memref<100000x128xf32, #tpu.memory_space<hbm>> -> memref<160x128xf32, #tpu.memory_space<hbm>>
      %dma_start3A_267 = arith.constant 0 : i32
      %dma_start3A_268 = tpu.memref_slice %arg4[%add3A_261, %dma_start3A_267] : memref<100000x128xf32, #tpu.memory_space<hbm>> -> memref<160x128xf32, #tpu.memory_space<hbm>>
      %dma_start3A_269 = arith.constant 640 : i32
      %dma_start3A_270 = arith.constant 0 : i32
      %dma_start3A_271 = tpu.memref_slice %arg6[%dma_start3A_269, %dma_start3A_270] : memref<800x128xf32, #tpu.memory_space<vmem>> -> memref<160x128xf32, #tpu.memory_space<vmem>>
      tpu.enqueue_dma source(%dma_start3A_271 : memref<160x128xf32, #tpu.memory_space<vmem>>) target(%dma_start3A_268 : memref<160x128xf32, #tpu.memory_space<hbm>>) target_semaphore(%arg21 : memref<!tpu.dma_semaphore, #tpu.memory_space<semaphore_mem>>)
      %dma_wait3A_272 = arith.constant 0 : i32
      %dma_wait3A_273 = arith.constant 0 : i32
      %dma_wait3A_274 = tpu.memref_slice %arg6[%dma_wait3A_272, %dma_wait3A_273] : memref<800x128xf32, #tpu.memory_space<vmem>> -> memref<160x128xf32, #tpu.memory_space<vmem>>
      %dma_wait3A_275 = arith.constant 0 : i32
      %dma_wait3A_276 = arith.constant 0 : i32
      %dma_wait3A_277 = tpu.memref_slice %arg2[%dma_wait3A_275, %dma_wait3A_276] : memref<50000x128xf32, #tpu.memory_space<hbm>> -> memref<160x128xf32, #tpu.memory_space<hbm>>
      %dma_wait3A_278 = arith.constant 0 : i32
      %dma_wait3A_279 = arith.constant 0 : i32
      %dma_wait3A_280 = tpu.memref_slice %arg6[%dma_wait3A_278, %dma_wait3A_279] : memref<800x128xf32, #tpu.memory_space<vmem>> -> memref<160x128xf32, #tpu.memory_space<vmem>>
      %dma_wait3A_281 = arith.constant 0 : i32
      %dma_wait3A_282 = arith.constant 0 : i32
      %dma_wait3A_283 = tpu.memref_slice %arg2[%dma_wait3A_281, %dma_wait3A_282] : memref<50000x128xf32, #tpu.memory_space<hbm>> -> memref<160x128xf32, #tpu.memory_space<hbm>>
      tpu.wait_dma2 semaphore(%arg17 : memref<!tpu.dma_semaphore, #tpu.memory_space<semaphore_mem>>) src(%dma_wait3A_283 : memref<160x128xf32, #tpu.memory_space<hbm>>) dst(%dma_wait3A_280 : memref<160x128xf32, #tpu.memory_space<vmem>>)
      %dma_wait3A_284 = arith.constant 0 : i32
      %dma_wait3A_285 = arith.constant 0 : i32
      %dma_wait3A_286 = tpu.memref_slice %arg6[%dma_wait3A_284, %dma_wait3A_285] : memref<800x128xf32, #tpu.memory_space<vmem>> -> memref<160x128xf32, #tpu.memory_space<vmem>>
      %dma_wait3A_287 = arith.constant 0 : i32
      %dma_wait3A_288 = arith.constant 0 : i32
      %dma_wait3A_289 = tpu.memref_slice %arg2[%dma_wait3A_287, %dma_wait3A_288] : memref<50000x128xf32, #tpu.memory_space<hbm>> -> memref<160x128xf32, #tpu.memory_space<hbm>>
      %dma_wait3A_290 = arith.constant 0 : i32
      %dma_wait3A_291 = arith.constant 0 : i32
      %dma_wait3A_292 = tpu.memref_slice %arg6[%dma_wait3A_290, %dma_wait3A_291] : memref<800x128xf32, #tpu.memory_space<vmem>> -> memref<160x128xf32, #tpu.memory_space<vmem>>
      %dma_wait3A_293 = arith.constant 0 : i32
      %dma_wait3A_294 = arith.constant 0 : i32
      %dma_wait3A_295 = tpu.memref_slice %arg2[%dma_wait3A_293, %dma_wait3A_294] : memref<50000x128xf32, #tpu.memory_space<hbm>> -> memref<160x128xf32, #tpu.memory_space<hbm>>
      tpu.wait_dma2 semaphore(%arg18 : memref<!tpu.dma_semaphore, #tpu.memory_space<semaphore_mem>>) src(%dma_wait3A_295 : memref<160x128xf32, #tpu.memory_space<hbm>>) dst(%dma_wait3A_292 : memref<160x128xf32, #tpu.memory_space<vmem>>)
      %dma_wait3A_296 = arith.constant 0 : i32
      %dma_wait3A_297 = arith.constant 0 : i32
      %dma_wait3A_298 = tpu.memref_slice %arg6[%dma_wait3A_296, %dma_wait3A_297] : memref<800x128xf32, #tpu.memory_space<vmem>> -> memref<160x128xf32, #tpu.memory_space<vmem>>
      %dma_wait3A_299 = arith.constant 0 : i32
      %dma_wait3A_300 = arith.constant 0 : i32
      %dma_wait3A_301 = tpu.memref_slice %arg2[%dma_wait3A_299, %dma_wait3A_300] : memref<50000x128xf32, #tpu.memory_space<hbm>> -> memref<160x128xf32, #tpu.memory_space<hbm>>
      %dma_wait3A_302 = arith.constant 0 : i32
      %dma_wait3A_303 = arith.constant 0 : i32
      %dma_wait3A_304 = tpu.memref_slice %arg6[%dma_wait3A_302, %dma_wait3A_303] : memref<800x128xf32, #tpu.memory_space<vmem>> -> memref<160x128xf32, #tpu.memory_space<vmem>>
      %dma_wait3A_305 = arith.constant 0 : i32
      %dma_wait3A_306 = arith.constant 0 : i32
      %dma_wait3A_307 = tpu.memref_slice %arg2[%dma_wait3A_305, %dma_wait3A_306] : memref<50000x128xf32, #tpu.memory_space<hbm>> -> memref<160x128xf32, #tpu.memory_space<hbm>>
      tpu.wait_dma2 semaphore(%arg19 : memref<!tpu.dma_semaphore, #tpu.memory_space<semaphore_mem>>) src(%dma_wait3A_307 : memref<160x128xf32, #tpu.memory_space<hbm>>) dst(%dma_wait3A_304 : memref<160x128xf32, #tpu.memory_space<vmem>>)
      %dma_wait3A_308 = arith.constant 0 : i32
      %dma_wait3A_309 = arith.constant 0 : i32
      %dma_wait3A_310 = tpu.memref_slice %arg6[%dma_wait3A_308, %dma_wait3A_309] : memref<800x128xf32, #tpu.memory_space<vmem>> -> memref<160x128xf32, #tpu.memory_space<vmem>>
      %dma_wait3A_311 = arith.constant 0 : i32
      %dma_wait3A_312 = arith.constant 0 : i32
      %dma_wait3A_313 = tpu.memref_slice %arg2[%dma_wait3A_311, %dma_wait3A_312] : memref<50000x128xf32, #tpu.memory_space<hbm>> -> memref<160x128xf32, #tpu.memory_space<hbm>>
      %dma_wait3A_314 = arith.constant 0 : i32
      %dma_wait3A_315 = arith.constant 0 : i32
      %dma_wait3A_316 = tpu.memref_slice %arg6[%dma_wait3A_314, %dma_wait3A_315] : memref<800x128xf32, #tpu.memory_space<vmem>> -> memref<160x128xf32, #tpu.memory_space<vmem>>
      %dma_wait3A_317 = arith.constant 0 : i32
      %dma_wait3A_318 = arith.constant 0 : i32
      %dma_wait3A_319 = tpu.memref_slice %arg2[%dma_wait3A_317, %dma_wait3A_318] : memref<50000x128xf32, #tpu.memory_space<hbm>> -> memref<160x128xf32, #tpu.memory_space<hbm>>
      tpu.wait_dma2 semaphore(%arg20 : memref<!tpu.dma_semaphore, #tpu.memory_space<semaphore_mem>>) src(%dma_wait3A_319 : memref<160x128xf32, #tpu.memory_space<hbm>>) dst(%dma_wait3A_316 : memref<160x128xf32, #tpu.memory_space<vmem>>)
      %dma_wait3A_320 = arith.constant 0 : i32
      %dma_wait3A_321 = arith.constant 0 : i32
      %dma_wait3A_322 = tpu.memref_slice %arg6[%dma_wait3A_320, %dma_wait3A_321] : memref<800x128xf32, #tpu.memory_space<vmem>> -> memref<160x128xf32, #tpu.memory_space<vmem>>
      %dma_wait3A_323 = arith.constant 0 : i32
      %dma_wait3A_324 = arith.constant 0 : i32
      %dma_wait3A_325 = tpu.memref_slice %arg2[%dma_wait3A_323, %dma_wait3A_324] : memref<50000x128xf32, #tpu.memory_space<hbm>> -> memref<160x128xf32, #tpu.memory_space<hbm>>
      %dma_wait3A_326 = arith.constant 0 : i32
      %dma_wait3A_327 = arith.constant 0 : i32
      %dma_wait3A_328 = tpu.memref_slice %arg6[%dma_wait3A_326, %dma_wait3A_327] : memref<800x128xf32, #tpu.memory_space<vmem>> -> memref<160x128xf32, #tpu.memory_space<vmem>>
      %dma_wait3A_329 = arith.constant 0 : i32
      %dma_wait3A_330 = arith.constant 0 : i32
      %dma_wait3A_331 = tpu.memref_slice %arg2[%dma_wait3A_329, %dma_wait3A_330] : memref<50000x128xf32, #tpu.memory_space<hbm>> -> memref<160x128xf32, #tpu.memory_space<hbm>>
      tpu.wait_dma2 semaphore(%arg21 : memref<!tpu.dma_semaphore, #tpu.memory_space<semaphore_mem>>) src(%dma_wait3A_331 : memref<160x128xf32, #tpu.memory_space<hbm>>) dst(%dma_wait3A_328 : memref<160x128xf32, #tpu.memory_space<vmem>>)
    } else {
    }
    %eq3A = arith.constant 31 : i32
    %eq3A_5 = arith.cmpi eq, %add3A, %eq3A : i32
    %convert_element_type3A_6 = arith.extui %eq3A_5 : i1 to i32
    %cond3A_7 = arith.constant 0 : i32
    %cond3A_8 = arith.cmpi ne, %convert_element_type3A_6, %cond3A_7 : i32
    scf.if %cond3A_8 {
      "tpu.region"() ({
        %run_scoped3A = tpu.sem_alloc : memref<!tpu.dma_semaphore, #tpu.memory_space<semaphore_mem>>
        %dma_start3A = arith.constant 0 : i32
        %dma_start3A_14 = tpu.memref_slice %arg5[%dma_start3A] : memref<3200xi32, #tpu.memory_space<vmem>> -> memref<800xi32, #tpu.memory_space<vmem>>
        %dma_start3A_15 = tpu.memref_slice %arg3[%mul3A_2] : memref<100000xi32, #tpu.memory_space<hbm>> -> memref<800xi32, #tpu.memory_space<hbm>>
        %dma_start3A_16 = arith.constant 0 : i32
        %dma_start3A_17 = tpu.memref_slice %arg5[%dma_start3A_16] : memref<3200xi32, #tpu.memory_space<vmem>> -> memref<800xi32, #tpu.memory_space<vmem>>
        %dma_start3A_18 = tpu.memref_slice %arg3[%mul3A_2] : memref<100000xi32, #tpu.memory_space<hbm>> -> memref<800xi32, #tpu.memory_space<hbm>>
        tpu.enqueue_dma source(%dma_start3A_18 : memref<800xi32, #tpu.memory_space<hbm>>) target(%dma_start3A_17 : memref<800xi32, #tpu.memory_space<vmem>>) target_semaphore(%run_scoped3A : memref<!tpu.dma_semaphore, #tpu.memory_space<semaphore_mem>>)
        %dma_wait3A = arith.constant 0 : i32
        %dma_wait3A_19 = tpu.memref_slice %arg5[%dma_wait3A] : memref<3200xi32, #tpu.memory_space<vmem>> -> memref<800xi32, #tpu.memory_space<vmem>>
        %dma_wait3A_20 = tpu.memref_slice %arg3[%mul3A_2] : memref<100000xi32, #tpu.memory_space<hbm>> -> memref<800xi32, #tpu.memory_space<hbm>>
        %dma_wait3A_21 = arith.constant 0 : i32
        %dma_wait3A_22 = tpu.memref_slice %arg5[%dma_wait3A_21] : memref<3200xi32, #tpu.memory_space<vmem>> -> memref<800xi32, #tpu.memory_space<vmem>>
        %dma_wait3A_23 = tpu.memref_slice %arg3[%mul3A_2] : memref<100000xi32, #tpu.memory_space<hbm>> -> memref<800xi32, #tpu.memory_space<hbm>>
        tpu.wait_dma2 semaphore(%run_scoped3A : memref<!tpu.dma_semaphore, #tpu.memory_space<semaphore_mem>>) src(%dma_wait3A_23 : memref<800xi32, #tpu.memory_space<hbm>>) dst(%dma_wait3A_22 : memref<800xi32, #tpu.memory_space<vmem>>)
        tpu.yield
      }) : () -> ()
      %scan3A = arith.constant 0 : i32
      %scan3A_9 = arith.constant 0 : i32
      %scan3A_10 = arith.constant 10 : i32
      %scan3A_11 = arith.addi %scan3A_9, %scan3A_10 : i32
      %scan3A_12 = arith.constant 1 : i32
      scf.for %scan3A_14 = %scan3A_9 to %scan3A_11 step %scan3A_12  : i32 {
        %mul3A_15 = arith.constant 80 : i32
        %mul3A_16 = arith.muli %scan3A_14, %mul3A_15 : i32
        %dma_start3A = arith.constant 0 : i32
        %dma_start3A_17 = arith.constant 0 : i32
        %dma_start3A_18 = tpu.memref_slice %arg6[%dma_start3A, %dma_start3A_17] : memref<800x128xf32, #tpu.memory_space<vmem>> -> memref<80x128xf32, #tpu.memory_space<vmem>>
        %dma_start3A_19 = tpu.memref_slice %arg5[%mul3A_16] : memref<3200xi32, #tpu.memory_space<vmem>> -> memref<80xi32, #tpu.memory_space<vmem>>
        %dma_start3A_20 = arith.constant 0 : i32
        %dma_start3A_21 = arith.constant 0 : i32
        %dma_start3A_22 = tpu.memref_slice %arg2[%dma_start3A_20, %dma_start3A_21] : memref<50000x128xf32, #tpu.memory_space<hbm>> -> memref<50000x128xf32, #tpu.memory_space<hbm>>
        tpu.enqueue_indirect_dma source(%dma_start3A_22 : memref<50000x128xf32, #tpu.memory_space<hbm>>) target(%dma_start3A_18 : memref<80x128xf32, #tpu.memory_space<vmem>>) offsets(%dma_start3A_19 : memref<80xi32, #tpu.memory_space<vmem>>) semaphore(%arg7 : memref<!tpu.dma_semaphore, #tpu.memory_space<semaphore_mem>>)
        %dma_wait3A = arith.constant 0 : i32
        %dma_wait3A_23 = arith.constant 0 : i32
        %dma_wait3A_24 = tpu.memref_slice %arg6[%dma_wait3A, %dma_wait3A_23] : memref<800x128xf32, #tpu.memory_space<vmem>> -> memref<80x128xf32, #tpu.memory_space<vmem>>
        %dma_wait3A_25 = tpu.memref_slice %arg5[%mul3A_16] : memref<3200xi32, #tpu.memory_space<vmem>> -> memref<80xi32, #tpu.memory_space<vmem>>
        %dma_wait3A_26 = arith.constant 0 : i32
        %dma_wait3A_27 = arith.constant 0 : i32
        %dma_wait3A_28 = tpu.memref_slice %arg2[%dma_wait3A_26, %dma_wait3A_27] : memref<50000x128xf32, #tpu.memory_space<hbm>> -> memref<50000x128xf32, #tpu.memory_space<hbm>>
        tpu.wait_indirect_dma semaphore(%arg7 : memref<!tpu.dma_semaphore, #tpu.memory_space<semaphore_mem>>) src(%dma_wait3A_28 : memref<50000x128xf32, #tpu.memory_space<hbm>>) dst(%dma_wait3A_24 : memref<80x128xf32, #tpu.memory_space<vmem>>)
        %mul3A_29 = arith.constant 80 : i32
        %mul3A_30 = arith.muli %scan3A_14, %mul3A_29 : i32
        %add3A_31 = arith.addi %mul3A_2, %mul3A_30 : i32
        "tpu.region"() ({
          %run_scoped3A = tpu.sem_alloc : memref<!tpu.dma_semaphore, #tpu.memory_space<semaphore_mem>>
          %dma_start3A_32 = arith.constant 0 : i32
          %dma_start3A_33 = arith.constant 0 : i32
          %dma_start3A_34 = tpu.memref_slice %arg6[%dma_start3A_32, %dma_start3A_33] : memref<800x128xf32, #tpu.memory_space<vmem>> -> memref<80x128xf32, #tpu.memory_space<vmem>>
          %dma_start3A_35 = arith.constant 0 : i32
          %dma_start3A_36 = tpu.memref_slice %arg4[%add3A_31, %dma_start3A_35] : memref<100000x128xf32, #tpu.memory_space<hbm>> -> memref<80x128xf32, #tpu.memory_space<hbm>>
          %dma_start3A_37 = arith.constant 0 : i32
          %dma_start3A_38 = tpu.memref_slice %arg4[%add3A_31, %dma_start3A_37] : memref<100000x128xf32, #tpu.memory_space<hbm>> -> memref<80x128xf32, #tpu.memory_space<hbm>>
          %dma_start3A_39 = arith.constant 0 : i32
          %dma_start3A_40 = arith.constant 0 : i32
          %dma_start3A_41 = tpu.memref_slice %arg6[%dma_start3A_39, %dma_start3A_40] : memref<800x128xf32, #tpu.memory_space<vmem>> -> memref<80x128xf32, #tpu.memory_space<vmem>>
          tpu.enqueue_dma source(%dma_start3A_41 : memref<80x128xf32, #tpu.memory_space<vmem>>) target(%dma_start3A_38 : memref<80x128xf32, #tpu.memory_space<hbm>>) target_semaphore(%run_scoped3A : memref<!tpu.dma_semaphore, #tpu.memory_space<semaphore_mem>>)
          %dma_wait3A_42 = arith.constant 0 : i32
          %dma_wait3A_43 = arith.constant 0 : i32
          %dma_wait3A_44 = tpu.memref_slice %arg6[%dma_wait3A_42, %dma_wait3A_43] : memref<800x128xf32, #tpu.memory_space<vmem>> -> memref<80x128xf32, #tpu.memory_space<vmem>>
          %dma_wait3A_45 = arith.constant 0 : i32
          %dma_wait3A_46 = tpu.memref_slice %arg4[%add3A_31, %dma_wait3A_45] : memref<100000x128xf32, #tpu.memory_space<hbm>> -> memref<80x128xf32, #tpu.memory_space<hbm>>
          %dma_wait3A_47 = arith.constant 0 : i32
          %dma_wait3A_48 = tpu.memref_slice %arg4[%add3A_31, %dma_wait3A_47] : memref<100000x128xf32, #tpu.memory_space<hbm>> -> memref<80x128xf32, #tpu.memory_space<hbm>>
          %dma_wait3A_49 = arith.constant 0 : i32
          %dma_wait3A_50 = arith.constant 0 : i32
          %dma_wait3A_51 = tpu.memref_slice %arg6[%dma_wait3A_49, %dma_wait3A_50] : memref<800x128xf32, #tpu.memory_space<vmem>> -> memref<80x128xf32, #tpu.memory_space<vmem>>
          tpu.wait_dma2 semaphore(%run_scoped3A : memref<!tpu.dma_semaphore, #tpu.memory_space<semaphore_mem>>) src(%dma_wait3A_51 : memref<80x128xf32, #tpu.memory_space<vmem>>) dst(%dma_wait3A_48 : memref<80x128xf32, #tpu.memory_space<hbm>>)
          tpu.yield
        }) : () -> ()
      }
      %scan3A_13 = arith.constant 10 : i32
    } else {
    }
    return
  }
}

</mosaic_0001>

<sc_bundles>
// kernel: kernel.3.cloned.1.call-start
scs
__scs_entry_jumppad:
0x0: {  	(pc) =	sbr.rel $0x88, $3  }
0x1: {  	(tag) =	ssettag $0x0;
	lr =	simm.s32 $0x1  }
0x2: {  	[smem:$0x3F9F] =	sst lr;
	_ =	strace $0xD0000000  }
0x3: {  	_ = 	snop  }
0x4: {  	_ = 	snop  }
0x5: {  	_ = 	snop  }
0x6: {  	_ = 	snop  }
0x7: {  	_ = 	snop  }
__scs_overlays_trampoline_lowered:
0x8: {  	[smem:$0x3FAE] =	sst s0  }
0x9: {  	[smem:$0x3FAF] =	sst s1  }
0xa: {  	[smem:$0x3FB0] =	sst s2  }
0xb: {  	[smem:$0x3FB1] =	sst s3  }
0xc: {  	[smem:$0x3FB2] =	sst s4  }
0xd: {  	[smem:$0x3FB3] =	sst s5  }
0xe: {  	[smem:$0x3FB4] =	sst s6  }
0xf: {  	[smem:$0x3FB5] =	sst s7  }
0x10: {  	[smem:$0x3FB6] =	sst s8  }
0x11: {  	[smem:$0x3FB7] =	sst s9;
	s0 =	simm.s32 @!p0 $0x0  }
0x12: {  	s1 =	sld [smem:$0x3F9D];
	s0 =	simm.s32 @p0 $0x1  }
0x13: {  	[smem:$0x3FB8] =	sst s0;
	s0 =	simm.s32 @!p1 $0x0  }
0x14: {  	s2 =	sld [smem:$0x3F9C];
	s0 =	simm.s32 @p1 $0x1  }
0x15: {  	[smem:$0x3FB9] =	sst s0;
	s0 =	simm.s32 @!p2 $0x0  }
0x16: {  	s3 =	sld [smem:$0x3FDB];
	s0 =	simm.s32 @p2 $0x1  }
0x17: {  	s4 =	simm.s32 $0x1BF5;
	[smem:$0x3FBB] =	sst s0  }
0x18: {  	s0 =	sld [smem:$0x3F9E];
	_ =	swait.ge [sflag:s4], $0x0  }
0x19: {  	s7 =	sld [smem:$0x3F9F]  }
0x1a: {  	s8 =	sadd.s32 $0xFFFFE003, lr  }
0x1b: {  	s9 =	sadd.s32 $0xFFFFFEF7, lr;
	s5 =	simm.s32 $0xFFFFFFFF;
	p2 =	slt.u32 s8, $0xFFFFF086  }
0x1c: {  	p1 =	slt.u32 s9, $0xF7A;
	s5 =	simm.s32 @!p2 $0x0  }
0x1d: {  	s5 =	simm.s32 @p1 $0x1;
	p0 =	seq.s32 s7, s2  }
0x1e: {  	s7 =	smul.u32 @!p0 $0xF7A, s2;
	p2 =	seq.s32 @!p0 s5, $0x0  }
0x1f: {  	s9 =	smul.u32 $0xF7A, s1;
	s8 =	simm.s32 @!p0 $0x1BF5;
	p2 =	por !p2, p0  }
0x20: {  	[sflag:s8] =	ssyncset.s32 @!p0 $0xFFFFF086;
	s6 =	sadd.s32 @!p0 s3, s7;
	s7 =	simm.s32 @!p0 $0x108  }
0x21: {  	s3 =	sadd.s32 s3, s9;
	s6 =	sadd.s32 @!p0 $0x88, s6;
	s7 =	simm.s32 @p2 $0x1082  }
0x22: {  	[simem:s7], [sflag:s8] =	dma.local @!p0 [hbm:s6], $0xF7A  }
0x23: {  	s9 =	sor.u32 $0xD0000000, s2;
	s6 =	simm.s32 $0x108;
	_ =	swait.ge @!p0 [sflag:s8], $0x0  }
0x24: {  	s3 =	sadd.s32 $0x88, s3;
	s6 =	simm.s32 @!p1 $0x1082;
	[sflag:s4] =	ssyncset.s32 $0xFFFFF086  }
0x25: {  	[simem:s6], [sflag:s4] =	dma.local [hbm:s3], $0xF7A  }
0x26: {  	[smem:$0x3F9F] =	sst s1;
	(tag) =	ssettag s2;
	_ =	strace s9  }
0x27: {  	s1 =	sld [smem:$0x3FAF]  }
0x28: {  	s2 =	sld [smem:$0x3FB0]  }
0x29: {  	s4 =	sld [smem:$0x3FB2]  }
0x2a: {  	p0 =	seq.s32 s5, $0x0;
	s5 =	sld [smem:$0x3FB3]  }
0x2b: {  	s6 =	sld [smem:$0x3FB4]  }
0x2c: {  	s7 =	sld [smem:$0x3FB5]  }
0x2d: {  	s3 =	simm.s32 $0x108;
	s8 =	sld [smem:$0x3FB6]  }
0x2e: {  	s3 =	simm.s32 @!p0 $0x1082;
	s9 =	sld [smem:$0x3FB7]  }
0x2f: {  	lr =	sadd.s32 s0, s3;
	s0 =	sld [smem:$0x3FAE]  }
0x30: {  	s3 =	sld [smem:$0x3FB1]  }
0x31: {  	[smem:$0x3FBA] =	sst s10  }
0x32: {  	s10 =	sld [smem:$0x3FB8];
	_ =	sdelay $0x3  }
0x33: {  	p0 =	seq.s32 s10, $0x1;
	s10 =	sld [smem:$0x3FBA];
	_ =	sdelay $0x3  }
0x34: {  	[smem:$0x3FBA] =	sst s10  }
0x35: {  	s10 =	sld [smem:$0x3FB9];
	_ =	sdelay $0x3  }
0x36: {  	p1 =	seq.s32 s10, $0x1;
	s10 =	sld [smem:$0x3FBA];
	_ =	sdelay $0x3  }
0x37: {  	[smem:$0x3FBA] =	sst s10  }
0x38: {  	s10 =	sld [smem:$0x3FBB]  }
0x39: {  	_ = 	snop;
	(pc) =	sbr.ind lr, $3  }
0x3a: {  	_ = 	snop  }
0x3b: {  	_ = 	snop  }
0x3c: {  	p2 =	seq.s32 s10, $0x1;
	s10 =	sld [smem:$0x3FBA]  }
0x3d: {  	_ =	shalt  }
0x3e: {  	_ =	shalt  }
0x3f: {  	_ =	shalt  }
0x40: {  	_ =	shalt  }
0x41: {  	_ =	shalt  }
0x42: {  	_ =	shalt  }
0x43: {  	_ =	shalt  }
0x44: {  	_ =	shalt  }
0x45: {  	_ =	shalt  }
0x46: {  	_ =	shalt  }
0x47: {  	_ =	shalt  }
0x48: {  	_ =	shalt  }
0x49: {  	_ =	shalt  }
0x4a: {  	_ =	shalt  }
0x4b: {  	_ =	shalt  }
0x4c: {  	_ =	shalt  }
0x4d: {  	_ =	shalt  }
0x4e: {  	_ =	shalt  }
0x4f: {  	_ =	shalt  }
0x50: {  	_ =	shalt  }
0x51: {  	_ =	shalt  }
0x52: {  	_ =	shalt  }
0x53: {  	_ =	shalt  }
0x54: {  	_ =	shalt  }
0x55: {  	_ =	shalt  }
0x56: {  	_ =	shalt  }
0x57: {  	_ =	shalt  }
0x58: {  	_ =	shalt  }
0x59: {  	_ =	shalt  }
0x5a: {  	_ =	shalt  }
0x5b: {  	_ =	shalt  }
0x5c: {  	_ =	shalt  }
0x5d: {  	_ =	shalt  }
0x5e: {  	_ =	shalt  }
0x5f: {  	_ =	shalt  }
0x60: {  	_ =	shalt  }
0x61: {  	_ =	shalt  }
0x62: {  	_ =	shalt  }
0x63: {  	_ =	shalt  }
0x64: {  	_ =	shalt  }
0x65: {  	_ =	shalt  }
0x66: {  	_ =	shalt  }
0x67: {  	_ =	shalt  }
0x68: {  	_ =	shalt  }
0x69: {  	_ =	shalt  }
0x6a: {  	_ =	shalt  }
0x6b: {  	_ =	shalt  }
0x6c: {  	_ =	shalt  }
0x6d: {  	_ =	shalt  }
0x6e: {  	_ =	shalt  }
0x6f: {  	_ =	shalt  }
0x70: {  	_ =	shalt  }
0x71: {  	_ =	shalt  }
0x72: {  	_ =	shalt  }
0x73: {  	_ =	shalt  }
0x74: {  	_ =	shalt  }
0x75: {  	_ =	shalt  }
0x76: {  	_ =	shalt  }
0x77: {  	_ =	shalt  }
0x78: {  	_ =	shalt  }
0x79: {  	_ =	shalt  }
0x7a: {  	_ =	shalt  }
0x7b: {  	_ =	shalt  }
0x7c: {  	_ =	shalt  }
0x7d: {  	_ =	shalt  }
0x7e: {  	_ =	shalt  }
0x7f: {  	_ =	shalt  }
0x80: {  	_ =	shalt  }
0x81: {  	_ =	shalt  }
0x82: {  	_ =	shalt  }
0x83: {  	_ =	shalt  }
0x84: {  	_ =	shalt  }
0x85: {  	_ =	shalt  }
0x86: {  	_ =	shalt  }
0x87: {  	_ =	shalt  }
.Lfunc_end0:
.L_simem_size_0:
called_computation_lowered:
.L_overlay_start_0:
0x88: {  	s2 =	sld [smem:$0x3FD9]  }
0x89: {  	s3 =	sld [smem:$0x3FFE];
	_ =	sdelay $0x1  }
0x8a: {  	s1 =	srdreg.scid  }
0x8b: {  	s0 =	sand.u32 $0x1, s1  }
0x8c: {  	s17 =	sshll.u32 s0, $0xA;
	s2 =	sadd.s32 s3, s2  }
0x8d: {  	s2 =	sadd.s32 s2, s17  }
0x8e: {  	[smem:$0x3FC6] =	sst s2  }
0x8f: {  	_ = 	snop  }
0x90: {  	s2 =	sld [smem:$0x3FC9]  }
0x91: {  	s18 =	sld [smem:$0x3FD0];
	(tm) =	ssettm $0x1  }
0x92: {  	s4 =	sld [smem:$0x3FFB];
	_ =	sdelay $0x3  }
0x93: {  	_ =	strace s4  }
0x94: {  	s4 =	sld [smem:$0x3FFC];
	_ =	sdelay $0x3  }
0x95: {  	_ =	strace s4  }
0x96: {  	s4 =	sld [smem:$0x3FFD];
	_ =	sdelay $0x3  }
0x97: {  	_ =	strace s4  }
0x98: {  	_ =	strace $0x8FFFFFFF  }
0x99: {  	s19 =	sld [smem:$0x3FDB];
	_ =	sdelay $0x1  }
0x9a: {  	s5 =	simm.s32 $_scs_section_size  }
0x9b: {  	s6 =	simm.s32 $_size__tile_overlayer_lowered;
	s7 =	simm.s32 $_tile_overlayer_lowered  }
0x9c: {  	s22 =	simm.s32 $0x1BFF;
	s21 =	sshll.u32 s7, $0x1;
	s4 =	sadd.s32 s5, s19  }
0x9d: {  	s8 =	simm.s32 $0x0;
	s20 =	sshll.u32 s6, $0x1;
	s6 =	sadd.s32 s21, s4  }
0x9e: {  	[timem:s8], [sflag:s22] =	dma.local [hbm:s6], s20  }
0x9f: {  	_ =	swait.ge [sflag:s22], s20  }
0xa0: {  	s5 =	ssub.s32 $0x0, s20;
	[sflag:s22] =	ssyncset.done $0x0  }
0xa1: {  	[sflag:s22] =	ssyncadd.s32 s5;
	_ =	sdelay $0x1  }
0xa2: {  	s23 =	simm.s32 $0x1B8B  }
0xa3: {  	_ =	swait.ge [sflag:s23], $0x1  }
0xa4: {  	[sflag:s23] =	ssyncset.done $0x0  }
0xa5: {  	s25 =	simm.s32 $0x1B8E;
	s24 =	sld [smem:$0x3FFE];
	[sflag:s23] =	ssyncadd.s32 $0xFFFFFFFF  }
0xa6: {  	s26 =	simm.s32 $execute0_lowered;
	[smem:$0x3FD2] =	sst s25  }
0xa7: {  	s6 =	sshll.u32 s26, $0x1;
	_ =	strace $0x80000046;
	[dreg:$0x1] =	wrdreg $0xFFFFFFFF  }
0xa8: {  	s28 =	simm.s32 $_size_execute0_lowered;
	s4 =	sadd.s32 s4, s6;
	[dreg:$0x0] =	wrdreg $0x0  }
0xa9: {  	s6 =	sshll.u32 s28, $0x1;
	[dreg:$0x2] =	wrdreg s4  }
0xaa: {  	[dreg:$0x3] =	wrdreg s6  }
0xab: {  	[dreg:$0x4] =	wrdreg $0xC0  }
0xac: {  	_ =	task [dreg:s8], $0x5FFFF  }
0xad: {  	[dreg:$0x1] =	wrdreg $0xFFFFFFFF  }
0xae: {  	[dreg:$0x0] =	wrdreg $0x60  }
0xaf: {  	[dreg:$0x2] =	wrdreg s2  }
0xb0: {  	[dreg:$0x3] =	wrdreg s24  }
0xb1: {  	[dreg:$0x4] =	wrdreg s18  }
0xb2: {  	[dreg:$0x5] =	wrdreg $0x9  }
0xb3: {  	_ =	task.clear_ibuf [dreg:s8], $0x6FFFF;
	_ =	strace $0x90000046  }
0xb4: {  	s29 =	simm.s32 $0x9;
	_ =	strace $0x80000048  }
0xb5: {  	_ =	swait.ge [sflag:s29], $0x1  }
0xb6: {  	[sflag:s29] =	ssyncadd.s32 $0xFFFFFFFF  }
0xb7: {  	_ =	strace $0x90000048  }
0xb8: {  	_ =	sfence  }
0xb9: {  	s30 =	sld [smem:$0x0];
	_ =	sdelay $0x2  }
0xba: {  	s31 =	sshll.u32 s1, $0xD;
	s1 =	sshrl.u32 s1, $0x2  }
0xbb: {  	s3 =	sand.u32 $0x4000, s31;
	s1 =	sadd.s32 s1, s30  }
0xbc: {  	s0 =	sor.u32 s3, s0;
	s1 =	sshll.u32 s1, $0x11  }
0xbd: {  	s0 =	sor.u32 s1, s0  }
0xbe: {  	s0 =	sadd.s32 $0x8F2B, s0  }
0xbf: {  	[sflag:s0] =	ssyncadd.remote.s32 $0x1  }
0xc0: {  	_ =	sfence.sel $0xFFFF  }
0xc1: {  	[dreg:$0x0] =	wrdreg $0xFFFFFFFF;
	(pc) =	sbr.abs _section_cstart, $3  }
0xc2: {  	[dreg:$0x1] =	wrdreg $0xFFFFFFFF  }
0xc3: {  	_ =	task.clear_ibuf [dreg:s8], $0x2FFFF;
	_ =	strace $0x9FFFFFFF  }
0xc4: {  	(tm) =	ssettm $0x7FFFFFFF  }
0xc5: {  	_ =	shalt  }
tec
execute0_lowered:
.L_overlay_start_1:
0x0: {  	(tag) =	ssettag $0x1  }
0x1: {  	s1 =	rddreg [dreg:$0x0]  }
0x2: {  	s0 =	srdreg.scid;
	s2 =	rddreg [dreg:$0x1]  }
0x3: {  	s10 =	stileid.u32;
	s4 =	rddreg [dreg:$0x2];
	s28 =	simm.s32 $0x3  }
0x4: {  	s29 =	simm.s32 $0x5;
	s0 =	sand.u32 $0x1, s0;
	s3 =	sshll.u32 s10, $0x1  }
0x5: {  	s30 =	simm.s32 $0xB;
	s5 =	sor.u32 s0, s3;
	s3 =	simm.s32 $0x0  }
0x6: {  	s31 =	simm.s32 $0x7;
	s15 =	sadd.s32 $0x183800, s4;
	[smem:$0x7FF] =	sst s3  }
0x7: {  	s17 =	sadd.s32 $0x183D00, s4;
	_ =	strace $0x80000047;
	[dreg:$0x9] =	wrdreg s15  }
0x8: {  	s18 =	sadd.s32 $0x184200, s4;
	s19 =	sadd.s32 $0x184700, s4;
	[dreg:$0xb] =	wrdreg s17  }
0x9: {  	s20 =	smul.u32 $0x19000, s10;
	s21 =	sadd.s32 $0x184C00, s4;
	[dreg:$0xc] =	wrdreg s18  }
0xa: {  	s22 =	sadd.s32 $0x185100, s4;
	s23 =	sadd.s32 $0x185600, s4;
	[dreg:$0xe] =	wrdreg s19  }
0xb: {  	s24 =	sadd.s32 $0x185B00, s4;
	s25 =	sadd.s32 $0x186000, s4;
	[dreg:$0x10] =	wrdreg s21  }
0xc: {  	s7 =	ssub.s32 $0x2, s0;
	s0 =	smul.u32 $0xC800, s0;
	[dreg:$0x11] =	wrdreg s22  }
0xd: {  	s26 =	sadd.s32 $0x186500, s4;
	s6 =	smul.u32 $0x64000, s5;
	[dreg:$0x12] =	wrdreg s23  }
0xe: {  	s8 =	smul.u32 $0xC80, s5;
	s9 =	sshrl.u32 s7, $0x1;
	[dreg:$0x13] =	wrdreg s24  }
0xf: {  	p0 =	seq.s32 s5, $0x1F;
	s5 =	simm.s32 $0xF;
	[dreg:$0x14] =	wrdreg s25  }
0x10: {  	s7 =	ssub.s32 s7, s9;
	[dreg:$0x15] =	wrdreg s26;
	s22 =	simm.s32 $0x10  }
0x11: {  	s24 =	simm.s32 $0x50;
	s25 =	simm.s32 $0xC80;
	s26 =	simm.s32 $0x1  }
0x12: {  	s23 =	simm.s32 $0xA0;
	s9 =	simm.s32 $0xAC80;
	s17 =	simm.s32 $0x4  }
0x13: {  	s18 =	simm.s32 $0x6;
	s19 =	simm.s32 $0x8;
	s21 =	simm.s32 $0xE  }
0x14: {  	s6 =	sshrl.u32 s6, $0x3;
	s8 =	sshrl.u32 s8, $0x3;
	s15 =	smax.u32 s7, $0x1  }
0x15: {  	s7 =	simm.s32 $0x5C80;
	s16 =	sadd.s32 s2, s8;
	[dreg:$0xf] =	wrdreg s15  }
0x16: {  	s6 =	sadd.s32 s4, s6;
	s2 =	sadd.s32 $0x3070, s2;
	[dreg:$0xa] =	wrdreg s16  }
0x17: {  	s8 =	simm.s32 $0x0;
	s11 =	sadd.s32 $0x9600, s6;
	[dreg:$0xd] =	wrdreg s2  }
0x18: {  	s12 =	sadd.s32 $0xA000, s6;
	s13 =	sadd.s32 $0xAA00, s6;
	[dreg:$0x4] =	wrdreg s11  }
0x19: {  	s14 =	sadd.s32 $0xB400, s6;
	s6 =	sadd.s32 $0xBE00, s6;
	[dreg:$0x5] =	wrdreg s12  }
.Ltmp0:
0x1a: {  	s2 =	sadd.s32 s20, s4;
	[dreg:$0x6] =	wrdreg s13;
	(pc) =	sbr.rel .LBB2_1-.Ltmp0, $4  }
0x1b: {  	s16 =	simm.s32 $0x2;
	s20 =	simm.s32 $0x9;
	[dreg:$0x7] =	wrdreg s14  }
0x1c: {  	s4 =	simm.s32 $0xD;
	[dreg:$0x8] =	wrdreg s6;
	s0 =	sadd.s32 s0, s2  }
0x1d: {  	s11 =	simm.s32 $0xFC80;
	s13 =	simm.s32 $0x14C80;
	s0 =	sadd.s32 $0x2800, s0  }
0x1e: {  	s2 =	simm.s32 $0xC;
	[dreg:$0x16] =	wrdreg s0;
	s0 =	simm.s32 $0xA  }
.LBB2_5:
0x1f: {  	s6 =	rddreg [dreg:$0xd]  }
0x20: {  	[tilespmem:s3], [sflag:$0x10] =	stream.linear.gather [hbm4b:s6+s3], $0x320, $0x38;
	[tilespmem:$0x19C80] =	vst v63  }
0x21: {  	_ =	swait.ge [sflag:s22], $0x320  }
0x22: {  	[sflag:s22] =	ssyncset.done $0x0  }
0x23: {  	[sflag:s22] =	ssyncadd.s32 $0xFFFFFCE0  }
0x24: {  	[tilespmem:s25], [sflag:$0x1] =	stream.indirect.gather [hbm4b:s1+s24], $0x80, s3, s24, $0xb8;
	[tilespmem:$0x19C80] =	vst v63  }
0x25: {  	_ =	swait.ge [sflag:s26], $0x2800  }
0x26: {  	[sflag:s26] =	ssyncset.done $0x0  }
0x27: {  	s12 =	rddreg [dreg:$0x9];
	[sflag:s26] =	ssyncadd.s32 $0xFFFFD800  }
0x28: {  	[hbm4b:s12+s3] =	stream.linear.scatter [tilespmem:s25], [sflag:$0x10], $0x2800, $0x38;
	[tilespmem:$0x19C80] =	vst v63  }
0x29: {  	_ =	swait.ge [sflag:s22], $0x2800  }
0x2a: {  	[sflag:s22] =	ssyncset.done $0x0  }
0x2b: {  	[sflag:s22] =	ssyncadd.s32 $0xFFFFD800  }
0x2c: {  	[tilespmem:s25], [sflag:$0x1] =	stream.indirect.gather [hbm4b:s1+s24], $0x80, s24, s24, $0xb8;
	[tilespmem:$0x19C80] =	vst v63  }
0x2d: {  	_ =	swait.ge [sflag:s26], $0x2800  }
0x2e: {  	[sflag:s26] =	ssyncset.done $0x0  }
0x2f: {  	s14 =	rddreg [dreg:$0xb];
	[sflag:s26] =	ssyncadd.s32 $0xFFFFD800  }
0x30: {  	[hbm4b:s14+s3] =	stream.linear.scatter [tilespmem:s25], [sflag:$0x10], $0x2800, $0x38;
	[tilespmem:$0x19C80] =	vst v63  }
0x31: {  	_ =	swait.ge [sflag:s22], $0x2800  }
0x32: {  	[sflag:s22] =	ssyncset.done $0x0  }
0x33: {  	[sflag:s22] =	ssyncadd.s32 $0xFFFFD800  }
0x34: {  	[tilespmem:s25], [sflag:$0x1] =	stream.indirect.gather [hbm4b:s1+s24], $0x80, s23, s24, $0xb8;
	[tilespmem:$0x19C80] =	vst v63  }
0x35: {  	_ =	swait.ge [sflag:s26], $0x2800  }
0x36: {  	[sflag:s26] =	ssyncset.done $0x0  }
0x37: {  	s10 =	rddreg [dreg:$0xc];
	[sflag:s26] =	ssyncadd.s32 $0xFFFFD800  }
0x38: {  	[hbm4b:s10+s3] =	stream.linear.scatter [tilespmem:s25], [sflag:$0x10], $0x2800, $0x38;
	[tilespmem:$0x19C80] =	vst v63  }
0x39: {  	_ =	swait.ge [sflag:s22], $0x2800  }
0x3a: {  	[sflag:s22] =	ssyncset.done $0x0  }
0x3b: {  	s12 =	simm.s32 $0xF0;
	[sflag:s22] =	ssyncadd.s32 $0xFFFFD800  }
0x3c: {  	[tilespmem:s25], [sflag:$0x1] =	stream.indirect.gather [hbm4b:s1+s24], $0x80, s12, s24, $0xb8;
	[tilespmem:$0x19C80] =	vst v63  }
0x3d: {  	_ =	swait.ge [sflag:s26], $0x2800  }
0x3e: {  	[sflag:s26] =	ssyncset.done $0x0  }
0x3f: {  	s14 =	rddreg [dreg:$0xe];
	[sflag:s26] =	ssyncadd.s32 $0xFFFFD800  }
0x40: {  	[hbm4b:s14+s3] =	stream.linear.scatter [tilespmem:s25], [sflag:$0x10], $0x2800, $0x38;
	[tilespmem:$0x19C80] =	vst v63  }
0x41: {  	_ =	swait.ge [sflag:s22], $0x2800  }
0x42: {  	[sflag:s22] =	ssyncset.done $0x0  }
0x43: {  	s10 =	simm.s32 $0x140;
	[sflag:s22] =	ssyncadd.s32 $0xFFFFD800  }
0x44: {  	[tilespmem:s25], [sflag:$0x1] =	stream.indirect.gather [hbm4b:s1+s24], $0x80, s10, s24, $0xb8;
	[tilespmem:$0x19C80] =	vst v63  }
0x45: {  	_ =	swait.ge [sflag:s26], $0x2800  }
0x46: {  	[sflag:s26] =	ssyncset.done $0x0  }
0x47: {  	s12 =	rddreg [dreg:$0x10];
	[sflag:s26] =	ssyncadd.s32 $0xFFFFD800  }
0x48: {  	[hbm4b:s12+s3] =	stream.linear.scatter [tilespmem:s25], [sflag:$0x10], $0x2800, $0x38;
	[tilespmem:$0x19C80] =	vst v63  }
0x49: {  	_ =	swait.ge [sflag:s22], $0x2800  }
0x4a: {  	[sflag:s22] =	ssyncset.done $0x0  }
0x4b: {  	s14 =	simm.s32 $0x190;
	[sflag:s22] =	ssyncadd.s32 $0xFFFFD800  }
0x4c: {  	[tilespmem:s25], [sflag:$0x1] =	stream.indirect.gather [hbm4b:s1+s24], $0x80, s14, s24, $0xb8;
	[tilespmem:$0x19C80] =	vst v63  }
0x4d: {  	_ =	swait.ge [sflag:s26], $0x2800  }
0x4e: {  	[sflag:s26] =	ssyncset.done $0x0  }
0x4f: {  	s10 =	rddreg [dreg:$0x11];
	[sflag:s26] =	ssyncadd.s32 $0xFFFFD800  }
0x50: {  	[hbm4b:s10+s3] =	stream.linear.scatter [tilespmem:s25], [sflag:$0x10], $0x2800, $0x38;
	[tilespmem:$0x19C80] =	vst v63  }
0x51: {  	_ =	swait.ge [sflag:s22], $0x2800  }
0x52: {  	[sflag:s22] =	ssyncset.done $0x0  }
0x53: {  	s12 =	simm.s32 $0x1E0;
	[sflag:s22] =	ssyncadd.s32 $0xFFFFD800  }
0x54: {  	[tilespmem:s25], [sflag:$0x1] =	stream.indirect.gather [hbm4b:s1+s24], $0x80, s12, s24, $0xb8;
	[tilespmem:$0x19C80] =	vst v63  }
0x55: {  	_ =	swait.ge [sflag:s26], $0x2800  }
0x56: {  	[sflag:s26] =	ssyncset.done $0x0  }
0x57: {  	s14 =	rddreg [dreg:$0x12];
	[sflag:s26] =	ssyncadd.s32 $0xFFFFD800  }
0x58: {  	[hbm4b:s14+s3] =	stream.linear.scatter [tilespmem:s25], [sflag:$0x10], $0x2800, $0x38;
	[tilespmem:$0x19C80] =	vst v63  }
0x59: {  	_ =	swait.ge [sflag:s22], $0x2800  }
0x5a: {  	[sflag:s22] =	ssyncset.done $0x0  }
0x5b: {  	s10 =	simm.s32 $0x230;
	[sflag:s22] =	ssyncadd.s32 $0xFFFFD800  }
0x5c: {  	[tilespmem:s25], [sflag:$0x1] =	stream.indirect.gather [hbm4b:s1+s24], $0x80, s10, s24, $0xb8;
	[tilespmem:$0x19C80] =	vst v63  }
0x5d: {  	_ =	swait.ge [sflag:s26], $0x2800  }
0x5e: {  	[sflag:s26] =	ssyncset.done $0x0  }
0x5f: {  	s12 =	rddreg [dreg:$0x13];
	[sflag:s26] =	ssyncadd.s32 $0xFFFFD800  }
0x60: {  	[hbm4b:s12+s3] =	stream.linear.scatter [tilespmem:s25], [sflag:$0x10], $0x2800, $0x38;
	[tilespmem:$0x19C80] =	vst v63  }
0x61: {  	_ =	swait.ge [sflag:s22], $0x2800  }
0x62: {  	[sflag:s22] =	ssyncset.done $0x0  }
0x63: {  	s14 =	simm.s32 $0x280;
	[sflag:s22] =	ssyncadd.s32 $0xFFFFD800  }
0x64: {  	[tilespmem:s25], [sflag:$0x1] =	stream.indirect.gather [hbm4b:s1+s24], $0x80, s14, s24, $0xb8;
	[tilespmem:$0x19C80] =	vst v63  }
0x65: {  	_ =	swait.ge [sflag:s26], $0x2800  }
0x66: {  	[sflag:s26] =	ssyncset.done $0x0  }
0x67: {  	s10 =	rddreg [dreg:$0x14];
	[sflag:s26] =	ssyncadd.s32 $0xFFFFD800  }
0x68: {  	[hbm4b:s10+s3] =	stream.linear.scatter [tilespmem:s25], [sflag:$0x10], $0x2800, $0x38;
	[tilespmem:$0x19C80] =	vst v63  }
0x69: {  	_ =	swait.ge [sflag:s22], $0x2800  }
0x6a: {  	[sflag:s22] =	ssyncset.done $0x0  }
0x6b: {  	s12 =	simm.s32 $0x2D0;
	[sflag:s22] =	ssyncadd.s32 $0xFFFFD800  }
0x6c: {  	[tilespmem:s25], [sflag:$0x1] =	stream.indirect.gather [hbm4b:s1+s24], $0x80, s12, s24, $0xb8;
	[tilespmem:$0x19C80] =	vst v63  }
0x6d: {  	_ =	swait.ge [sflag:s26], $0x2800  }
0x6e: {  	[sflag:s26] =	ssyncset.done $0x0  }
0x6f: {  	s14 =	rddreg [dreg:$0x15];
	[sflag:s26] =	ssyncadd.s32 $0xFFFFD800  }
0x70: {  	[hbm4b:s14+s3] =	stream.linear.scatter [tilespmem:s25], [sflag:$0x10], $0x2800, $0x38;
	[tilespmem:$0x19C80] =	vst v63  }
0x71: {  	_ =	swait.ge [sflag:s22], $0x2800  }
0x72: {  	[sflag:s22] =	ssyncset.done $0x0  }
0x73: {  	[sflag:s22] =	ssyncadd.s32 $0xFFFFD800  }
.LBB2_6:
0x74: {  	s8 =	sadd.s32 $0x1, s8  }
0x75: {  	p1 =	sne.s32 s8, s15  }
.Ltmp1:
0x76: {  	_ = 	snop;
	(pc) =	sbr.rel @!p1 .LBB2_7-.Ltmp1, $1  }
0x77: {  	_ =	sdelay $0x3  }
.LBB2_1:
.Ltmp2:
0x78: {  	(pc) =	sbr.rel @p0 .LBB2_5-.Ltmp2, $1  }
0x79: {  	_ =	sdelay $0x3  }
0x7a: {  	[dreg:$0x17] =	wrdreg s8  }
0x7b: {  	s15 =	simm.s32 $0x0;
	s6 =	rddreg [dreg:$0xa]  }
0x7c: {  	[tilespmem:s15], [sflag:$0x10] =	stream.linear.gather [hbm4b:s6+s15], $0xC80, $0x38;
	[tilespmem:$0x19C80] =	vst v63  }
0x7d: {  	_ =	swait.ge [sflag:s22], $0xC80  }
0x7e: {  	[sflag:s22] =	ssyncset.done $0x0  }
0x7f: {  	[sflag:s22] =	ssyncadd.s32 $0xFFFFF380  }
0x80: {  	[tilespmem:s25], [sflag:$0x1] =	stream.indirect.gather [hbm4b:s1+s24], $0x80, s15, s24, $0xb8;
	[tilespmem:$0x19C80] =	vst v63  }
0x81: {  	s22 =	simm.s32 $0x3480  }
0x82: {  	[tilespmem:s22], [sflag:$0x2] =	stream.indirect.gather [hbm4b:s1+s24], $0x80, s24, s24, $0xb8;
	[tilespmem:$0x19C80] =	vst v63  }
0x83: {  	_ = 	snop  }
0x84: {  	[tilespmem:s7], [sflag:$0x3] =	stream.indirect.gather [hbm4b:s1+s24], $0x80, s23, s24, $0xb8;
	[tilespmem:$0x19C80] =	vst v63  }
0x85: {  	s14 =	simm.s32 $0x8480;
	s23 =	simm.s32 $0xF0  }
0x86: {  	[tilespmem:s14], [sflag:$0x4] =	stream.indirect.gather [hbm4b:s1+s24], $0x80, s23, s24, $0xb8;
	[tilespmem:$0x19C80] =	vst v63  }
0x87: {  	s15 =	simm.s32 $0x140  }
0x88: {  	[tilespmem:s9], [sflag:$0x5] =	stream.indirect.gather [hbm4b:s1+s24], $0x80, s15, s24, $0xb8;
	[tilespmem:$0x19C80] =	vst v63  }
0x89: {  	s12 =	simm.s32 $0xD480;
	s23 =	simm.s32 $0x190  }
0x8a: {  	[tilespmem:s12], [sflag:$0x6] =	stream.indirect.gather [hbm4b:s1+s24], $0x80, s23, s24, $0xb8;
	[tilespmem:$0x19C80] =	vst v63  }
0x8b: {  	s15 =	simm.s32 $0x1E0  }
0x8c: {  	[tilespmem:s11], [sflag:$0x7] =	stream.indirect.gather [hbm4b:s1+s24], $0x80, s15, s24, $0xb8;
	[tilespmem:$0x19C80] =	vst v63  }
0x8d: {  	s8 =	simm.s32 $0x12480;
	s12 =	simm.s32 $0x230  }
0x8e: {  	[tilespmem:s8], [sflag:$0x8] =	stream.indirect.gather [hbm4b:s1+s24], $0x80, s12, s24, $0xb8;
	[tilespmem:$0x19C80] =	vst v63  }
0x8f: {  	s15 =	simm.s32 $0x280  }
0x90: {  	[tilespmem:s13], [sflag:$0x9] =	stream.indirect.gather [hbm4b:s1+s24], $0x80, s15, s24, $0xb8;
	[tilespmem:$0x19C80] =	vst v63  }
0x91: {  	s10 =	simm.s32 $0x17480;
	s8 =	simm.s32 $0x2D0  }
0x92: {  	[tilespmem:s10], [sflag:$0xA] =	stream.indirect.gather [hbm4b:s1+s24], $0x80, s8, s24, $0xb8;
	[tilespmem:$0x19C80] =	vst v63  }
0x93: {  	_ =	swait.ge [sflag:s26], $0x2800  }
0x94: {  	[sflag:s26] =	ssyncset.done $0x0  }
0x95: {  	[sflag:s26] =	ssyncadd.s32 $0xFFFFD800  }
0x96: {  	_ =	swait.ge [sflag:s16], $0x2800  }
0x97: {  	[sflag:s16] =	ssyncset.done $0x0;
	s6 =	rddreg [dreg:$0x16]  }
0x98: {  	[sflag:s16] =	ssyncadd.s32 $0xFFFFD800;
	s12 =	sadd.s32 $0xFFFFD800, s6  }
0x99: {  	[hbm4b:s12+s3] =	stream.linear.scatter [tilespmem:s25], [sflag:$0xB], $0x5000, $0x38;
	[tilespmem:$0x19C80] =	vst v63  }
0x9a: {  	_ =	swait.ge [sflag:s28], $0x2800  }
0x9b: {  	[sflag:s28] =	ssyncset.done $0x0  }
0x9c: {  	[sflag:s28] =	ssyncadd.s32 $0xFFFFD800  }
0x9d: {  	_ =	swait.ge [sflag:s17], $0x2800  }
0x9e: {  	[sflag:s17] =	ssyncset.done $0x0  }
0x9f: {  	s8 =	sadd.s32 $0xFFFFE200, s6;
	[sflag:s17] =	ssyncadd.s32 $0xFFFFD800  }
0xa0: {  	[hbm4b:s8+s3] =	stream.linear.scatter [tilespmem:s7], [sflag:$0xC], $0x5000, $0x38;
	[tilespmem:$0x19C80] =	vst v63  }
0xa1: {  	_ =	swait.ge [sflag:s29], $0x2800  }
0xa2: {  	[sflag:s29] =	ssyncset.done $0x0  }
0xa3: {  	[sflag:s29] =	ssyncadd.s32 $0xFFFFD800  }
0xa4: {  	_ =	swait.ge [sflag:s18], $0x2800  }
0xa5: {  	[sflag:s18] =	ssyncset.done $0x0  }
0xa6: {  	s10 =	sadd.s32 $0xFFFFEC00, s6;
	[sflag:s18] =	ssyncadd.s32 $0xFFFFD800  }
0xa7: {  	[hbm4b:s10+s3] =	stream.linear.scatter [tilespmem:s9], [sflag:$0xD], $0x5000, $0x38;
	[tilespmem:$0x19C80] =	vst v63  }
0xa8: {  	_ =	swait.ge [sflag:s30], $0x5000  }
0xa9: {  	[sflag:s30] =	ssyncset.done $0x0  }
0xaa: {  	s12 =	simm.s32 $0x320;
	[sflag:s30] =	ssyncadd.s32 $0xFFFFB000  }
0xab: {  	[tilespmem:s25], [sflag:$0x1] =	stream.indirect.gather [hbm4b:s1+s24], $0x80, s12, s24, $0xb8;
	[tilespmem:$0x19C80] =	vst v63  }
0xac: {  	s8 =	simm.s32 $0x370  }
0xad: {  	[tilespmem:s22], [sflag:$0x2] =	stream.indirect.gather [hbm4b:s1+s24], $0x80, s8, s24, $0xb8;
	[tilespmem:$0x19C80] =	vst v63  }
0xae: {  	_ =	swait.ge [sflag:s31], $0x2800  }
0xaf: {  	[sflag:s31] =	ssyncset.done $0x0  }
0xb0: {  	[sflag:s31] =	ssyncadd.s32 $0xFFFFD800  }
0xb1: {  	_ =	swait.ge [sflag:s19], $0x2800  }
0xb2: {  	[sflag:s19] =	ssyncset.done $0x0  }
0xb3: {  	s10 =	sadd.s32 $0xFFFFF600, s6;
	[sflag:s19] =	ssyncadd.s32 $0xFFFFD800  }
0xb4: {  	[hbm4b:s10+s3] =	stream.linear.scatter [tilespmem:s11], [sflag:$0xE], $0x5000, $0x38;
	[tilespmem:$0x19C80] =	vst v63  }
0xb5: {  	_ =	swait.ge [sflag:s2], $0x5000  }
0xb6: {  	[sflag:s2] =	ssyncset.done $0x0  }
0xb7: {  	s22 =	simm.s32 $0x3C0;
	[sflag:s2] =	ssyncadd.s32 $0xFFFFB000  }
0xb8: {  	[tilespmem:s7], [sflag:$0x3] =	stream.indirect.gather [hbm4b:s1+s24], $0x80, s22, s24, $0xb8;
	[tilespmem:$0x19C80] =	vst v63  }
0xb9: {  	s8 =	simm.s32 $0x410  }
0xba: {  	[tilespmem:s14], [sflag:$0x4] =	stream.indirect.gather [hbm4b:s1+s24], $0x80, s8, s24, $0xb8;
	[tilespmem:$0x19C80] =	vst v63  }
0xbb: {  	_ =	swait.ge [sflag:s20], $0x2800  }
0xbc: {  	[sflag:s20] =	ssyncset.done $0x0  }
0xbd: {  	[sflag:s20] =	ssyncadd.s32 $0xFFFFD800  }
0xbe: {  	_ =	swait.ge [sflag:s0], $0x2800  }
0xbf: {  	[sflag:s0] =	ssyncset.done $0x0  }
0xc0: {  	[sflag:s0] =	ssyncadd.s32 $0xFFFFD800  }
0xc1: {  	[hbm4b:s6+s3] =	stream.linear.scatter [tilespmem:s13], [sflag:$0xF], $0x5000, $0x38;
	[tilespmem:$0x19C80] =	vst v63  }
0xc2: {  	_ =	swait.ge [sflag:s4], $0x5000  }
0xc3: {  	[sflag:s4] =	ssyncset.done $0x0  }
0xc4: {  	s14 =	simm.s32 $0x460;
	[sflag:s4] =	ssyncadd.s32 $0xFFFFB000  }
0xc5: {  	[tilespmem:s9], [sflag:$0x5] =	stream.indirect.gather [hbm4b:s1+s24], $0x80, s14, s24, $0xb8;
	[tilespmem:$0x19C80] =	vst v63  }
0xc6: {  	s23 =	simm.s32 $0xD480;
	s22 =	simm.s32 $0x4B0  }
0xc7: {  	[tilespmem:s23], [sflag:$0x6] =	stream.indirect.gather [hbm4b:s1+s24], $0x80, s22, s24, $0xb8;
	[tilespmem:$0x19C80] =	vst v63  }
0xc8: {  	_ =	swait.ge [sflag:s21], $0x5000  }
0xc9: {  	[sflag:s21] =	ssyncset.done $0x0  }
0xca: {  	s8 =	simm.s32 $0x500;
	[sflag:s21] =	ssyncadd.s32 $0xFFFFB000  }
0xcb: {  	[tilespmem:s11], [sflag:$0x7] =	stream.indirect.gather [hbm4b:s1+s24], $0x80, s8, s24, $0xb8;
	[tilespmem:$0x19C80] =	vst v63  }
0xcc: {  	s22 =	simm.s32 $0x550;
	s23 =	simm.s32 $0x12480  }
0xcd: {  	[tilespmem:s23], [sflag:$0x8] =	stream.indirect.gather [hbm4b:s1+s24], $0x80, s22, s24, $0xb8;
	[tilespmem:$0x19C80] =	vst v63  }
0xce: {  	s15 =	sadd.s32 $0x3200, s6;
	_ =	swait.ge [sflag:s5], $0x5000  }
0xcf: {  	s12 =	simm.s32 $0x3480;
	s10 =	simm.s32 $0x8480;
	[sflag:s5] =	ssyncset.done $0x0  }
0xd0: {  	s14 =	simm.s32 $0xD480;
	s23 =	simm.s32 $0x5A0;
	[sflag:s5] =	ssyncadd.s32 $0xFFFFB000  }
0xd1: {  	[tilespmem:s13], [sflag:$0x9] =	stream.indirect.gather [hbm4b:s1+s24], $0x80, s23, s24, $0xb8;
	[tilespmem:$0x19C80] =	vst v63  }
0xd2: {  	s8 =	simm.s32 $0x12480;
	s22 =	simm.s32 $0xC80;
	s23 =	simm.s32 $0x5F0  }
.LBB2_3:
0xd3: {  	s6 =	simm.s32 $0x17480  }
0xd4: {  	[tilespmem:s6], [sflag:$0xA] =	stream.indirect.gather [hbm4b:s1+s24], $0x80, s23, s24, $0xb8;
	[tilespmem:$0x19C80] =	vst v63  }
0xd5: {  	s23 =	smov.u32 s22  }
0xd6: {  	p1 =	sne.s32 s22, $0x1900;
	s22 =	sadd.s32 $0xC80, s22;
	_ =	swait.ge [sflag:s26], $0x2800  }
0xd7: {  	[sflag:s26] =	ssyncset.done $0x0  }
0xd8: {  	[sflag:s26] =	ssyncadd.s32 $0xFFFFD800  }
0xd9: {  	_ =	swait.ge [sflag:s16], $0x2800  }
0xda: {  	[sflag:s16] =	ssyncset.done $0x0  }
0xdb: {  	s6 =	sadd.s32 $0xFFFFD800, s15;
	[sflag:s16] =	ssyncadd.s32 $0xFFFFD800  }
0xdc: {  	[hbm4b:s6+s3] =	stream.linear.scatter [tilespmem:s25], [sflag:$0xB], $0x5000, $0x38;
	[tilespmem:$0x19C80] =	vst v63  }
0xdd: {  	_ =	swait.ge [sflag:s28], $0x2800  }
0xde: {  	[sflag:s28] =	ssyncset.done $0x0  }
0xdf: {  	[sflag:s28] =	ssyncadd.s32 $0xFFFFD800  }
0xe0: {  	_ =	swait.ge [sflag:s17], $0x2800  }
0xe1: {  	[sflag:s17] =	ssyncset.done $0x0  }
0xe2: {  	s6 =	sadd.s32 $0xFFFFE200, s15;
	[sflag:s17] =	ssyncadd.s32 $0xFFFFD800  }
0xe3: {  	[hbm4b:s6+s3] =	stream.linear.scatter [tilespmem:s7], [sflag:$0xC], $0x5000, $0x38;
	[tilespmem:$0x19C80] =	vst v63  }
0xe4: {  	_ =	swait.ge [sflag:s29], $0x2800  }
0xe5: {  	[sflag:s29] =	ssyncset.done $0x0  }
0xe6: {  	[sflag:s29] =	ssyncadd.s32 $0xFFFFD800  }
0xe7: {  	_ =	swait.ge [sflag:s18], $0x2800  }
0xe8: {  	[sflag:s18] =	ssyncset.done $0x0  }
0xe9: {  	s6 =	sadd.s32 $0xFFFFEC00, s15;
	[sflag:s18] =	ssyncadd.s32 $0xFFFFD800  }
0xea: {  	[hbm4b:s6+s3] =	stream.linear.scatter [tilespmem:s9], [sflag:$0xD], $0x5000, $0x38;
	[tilespmem:$0x19C80] =	vst v63  }
0xeb: {  	_ =	swait.ge [sflag:s30], $0x5000  }
0xec: {  	s23 =	sshra.s32 s23, $0x2;
	[sflag:s30] =	ssyncset.done $0x0  }
0xed: {  	s6 =	sadd.s32 $0x320, s23;
	[sflag:s30] =	ssyncadd.s32 $0xFFFFB000  }
0xee: {  	[tilespmem:s25], [sflag:$0x1] =	stream.indirect.gather [hbm4b:s1+s24], $0x80, s6, s24, $0xb8;
	[tilespmem:$0x19C80] =	vst v63  }
0xef: {  	s6 =	sadd.s32 $0x370, s23  }
0xf0: {  	[tilespmem:s12], [sflag:$0x2] =	stream.indirect.gather [hbm4b:s1+s24], $0x80, s6, s24, $0xb8;
	[tilespmem:$0x19C80] =	vst v63  }
0xf1: {  	_ =	swait.ge [sflag:s31], $0x2800  }
0xf2: {  	[sflag:s31] =	ssyncset.done $0x0  }
0xf3: {  	[sflag:s31] =	ssyncadd.s32 $0xFFFFD800  }
0xf4: {  	_ =	swait.ge [sflag:s19], $0x2800  }
0xf5: {  	[sflag:s19] =	ssyncset.done $0x0  }
0xf6: {  	s6 =	sadd.s32 $0xFFFFF600, s15;
	[sflag:s19] =	ssyncadd.s32 $0xFFFFD800  }
0xf7: {  	[hbm4b:s6+s3] =	stream.linear.scatter [tilespmem:s11], [sflag:$0xE], $0x5000, $0x38;
	[tilespmem:$0x19C80] =	vst v63  }
0xf8: {  	_ =	swait.ge [sflag:s2], $0x5000  }
0xf9: {  	[sflag:s2] =	ssyncset.done $0x0  }
0xfa: {  	s6 =	sadd.s32 $0x3C0, s23;
	[sflag:s2] =	ssyncadd.s32 $0xFFFFB000  }
0xfb: {  	[tilespmem:s7], [sflag:$0x3] =	stream.indirect.gather [hbm4b:s1+s24], $0x80, s6, s24, $0xb8;
	[tilespmem:$0x19C80] =	vst v63  }
0xfc: {  	s6 =	sadd.s32 $0x410, s23  }
0xfd: {  	[tilespmem:s10], [sflag:$0x4] =	stream.indirect.gather [hbm4b:s1+s24], $0x80, s6, s24, $0xb8;
	[tilespmem:$0x19C80] =	vst v63  }
0xfe: {  	_ =	swait.ge [sflag:s20], $0x2800  }
0xff: {  	[sflag:s20] =	ssyncset.done $0x0  }
0x100: {  	[sflag:s20] =	ssyncadd.s32 $0xFFFFD800  }
0x101: {  	_ =	swait.ge [sflag:s0], $0x2800  }
0x102: {  	[sflag:s0] =	ssyncset.done $0x0  }
0x103: {  	[sflag:s0] =	ssyncadd.s32 $0xFFFFD800  }
0x104: {  	[hbm4b:s15+s3] =	stream.linear.scatter [tilespmem:s13], [sflag:$0xF], $0x5000, $0x38;
	[tilespmem:$0x19C80] =	vst v63  }
0x105: {  	_ =	swait.ge [sflag:s4], $0x5000  }
0x106: {  	[sflag:s4] =	ssyncset.done $0x0  }
0x107: {  	s6 =	sadd.s32 $0x460, s23;
	[sflag:s4] =	ssyncadd.s32 $0xFFFFB000  }
0x108: {  	[tilespmem:s9], [sflag:$0x5] =	stream.indirect.gather [hbm4b:s1+s24], $0x80, s6, s24, $0xb8;
	[tilespmem:$0x19C80] =	vst v63  }
0x109: {  	s6 =	sadd.s32 $0x4B0, s23  }
0x10a: {  	[tilespmem:s14], [sflag:$0x6] =	stream.indirect.gather [hbm4b:s1+s24], $0x80, s6, s24, $0xb8;
	[tilespmem:$0x19C80] =	vst v63  }
0x10b: {  	_ =	swait.ge [sflag:s21], $0x5000  }
0x10c: {  	[sflag:s21] =	ssyncset.done $0x0  }
0x10d: {  	s6 =	sadd.s32 $0x500, s23;
	[sflag:s21] =	ssyncadd.s32 $0xFFFFB000  }
0x10e: {  	[tilespmem:s11], [sflag:$0x7] =	stream.indirect.gather [hbm4b:s1+s24], $0x80, s6, s24, $0xb8;
	[tilespmem:$0x19C80] =	vst v63  }
0x10f: {  	s6 =	sadd.s32 $0x550, s23  }
0x110: {  	[tilespmem:s8], [sflag:$0x8] =	stream.indirect.gather [hbm4b:s1+s24], $0x80, s6, s24, $0xb8;
	[tilespmem:$0x19C80] =	vst v63  }
.Ltmp3:
0x111: {  	_ =	swait.ge [sflag:s5], $0x5000;
	(pc) =	sbr.rel @p1 .LBB2_3-.Ltmp3, $4  }
0x112: {  	[sflag:s5] =	ssyncset.done $0x0  }
0x113: {  	s6 =	sadd.s32 $0x5A0, s23;
	[sflag:s5] =	ssyncadd.s32 $0xFFFFB000  }
0x114: {  	[tilespmem:s13], [sflag:$0x9] =	stream.indirect.gather [hbm4b:s1+s24], $0x80, s6, s24, $0xb8;
	[tilespmem:$0x19C80] =	vst v63  }
0x115: {  	s15 =	sadd.s32 $0x3200, s15;
	s23 =	sadd.s32 $0x5F0, s23  }
0x116: {  	s6 =	simm.s32 $0x17480  }
0x117: {  	[tilespmem:s6], [sflag:$0xA] =	stream.indirect.gather [hbm4b:s1+s24], $0x80, s23, s24, $0xb8;
	[tilespmem:$0x19C80] =	vst v63  }
0x118: {  	_ =	swait.ge [sflag:s26], $0x2800  }
0x119: {  	[sflag:s26] =	ssyncset.done $0x0  }
0x11a: {  	[sflag:s26] =	ssyncadd.s32 $0xFFFFD800  }
0x11b: {  	_ =	swait.ge [sflag:s16], $0x2800  }
0x11c: {  	[sflag:s16] =	ssyncset.done $0x0  }
0x11d: {  	s12 =	rddreg [dreg:$0x4];
	[sflag:s16] =	ssyncadd.s32 $0xFFFFD800  }
0x11e: {  	[hbm4b:s12+s3] =	stream.linear.scatter [tilespmem:s25], [sflag:$0xB], $0x5000, $0x38;
	[tilespmem:$0x19C80] =	vst v63  }
0x11f: {  	_ =	swait.ge [sflag:s28], $0x2800  }
0x120: {  	[sflag:s28] =	ssyncset.done $0x0  }
0x121: {  	[sflag:s28] =	ssyncadd.s32 $0xFFFFD800  }
0x122: {  	_ =	swait.ge [sflag:s17], $0x2800  }
0x123: {  	[sflag:s17] =	ssyncset.done $0x0  }
0x124: {  	s14 =	rddreg [dreg:$0x5];
	[sflag:s17] =	ssyncadd.s32 $0xFFFFD800  }
0x125: {  	[hbm4b:s14+s3] =	stream.linear.scatter [tilespmem:s7], [sflag:$0xC], $0x5000, $0x38;
	[tilespmem:$0x19C80] =	vst v63  }
0x126: {  	_ =	swait.ge [sflag:s29], $0x2800  }
0x127: {  	[sflag:s29] =	ssyncset.done $0x0  }
0x128: {  	[sflag:s29] =	ssyncadd.s32 $0xFFFFD800  }
0x129: {  	_ =	swait.ge [sflag:s18], $0x2800  }
0x12a: {  	[sflag:s18] =	ssyncset.done $0x0  }
0x12b: {  	s15 =	rddreg [dreg:$0x6];
	[sflag:s18] =	ssyncadd.s32 $0xFFFFD800  }
0x12c: {  	[hbm4b:s15+s3] =	stream.linear.scatter [tilespmem:s9], [sflag:$0xD], $0x5000, $0x38;
	[tilespmem:$0x19C80] =	vst v63  }
0x12d: {  	_ =	swait.ge [sflag:s31], $0x2800  }
0x12e: {  	[sflag:s31] =	ssyncset.done $0x0  }
0x12f: {  	[sflag:s31] =	ssyncadd.s32 $0xFFFFD800  }
0x130: {  	_ =	swait.ge [sflag:s19], $0x2800  }
0x131: {  	[sflag:s19] =	ssyncset.done $0x0  }
0x132: {  	s22 =	rddreg [dreg:$0x7];
	[sflag:s19] =	ssyncadd.s32 $0xFFFFD800  }
0x133: {  	[hbm4b:s22+s3] =	stream.linear.scatter [tilespmem:s11], [sflag:$0xE], $0x5000, $0x38;
	[tilespmem:$0x19C80] =	vst v63  }
0x134: {  	_ =	swait.ge [sflag:s20], $0x2800  }
0x135: {  	[sflag:s20] =	ssyncset.done $0x0  }
0x136: {  	[sflag:s20] =	ssyncadd.s32 $0xFFFFD800  }
0x137: {  	_ =	swait.ge [sflag:s0], $0x2800  }
0x138: {  	[sflag:s0] =	ssyncset.done $0x0  }
0x139: {  	s23 =	rddreg [dreg:$0x8];
	[sflag:s0] =	ssyncadd.s32 $0xFFFFD800  }
0x13a: {  	[hbm4b:s23+s3] =	stream.linear.scatter [tilespmem:s13], [sflag:$0xF], $0x5000, $0x38;
	[tilespmem:$0x19C80] =	vst v63  }
0x13b: {  	_ =	swait.ge [sflag:s30], $0x5000  }
0x13c: {  	[sflag:s30] =	ssyncset.done $0x0  }
0x13d: {  	[sflag:s30] =	ssyncadd.s32 $0xFFFFB000  }
0x13e: {  	_ =	swait.ge [sflag:s2], $0x5000  }
0x13f: {  	[sflag:s2] =	ssyncset.done $0x0  }
0x140: {  	[sflag:s2] =	ssyncadd.s32 $0xFFFFB000  }
0x141: {  	_ =	swait.ge [sflag:s4], $0x5000  }
0x142: {  	[sflag:s4] =	ssyncset.done $0x0  }
0x143: {  	[sflag:s4] =	ssyncadd.s32 $0xFFFFB000  }
0x144: {  	_ =	swait.ge [sflag:s21], $0x5000  }
.Ltmp4:
0x145: {  	[sflag:s21] =	ssyncset.done $0x0;
	(pc) =	sbr.rel .LBB2_6-.Ltmp4, $4  }
0x146: {  	[sflag:s21] =	ssyncadd.s32 $0xFFFFB000  }
0x147: {  	_ =	swait.ge [sflag:s5], $0x5000  }
0x148: {  	s22 =	simm.s32 $0x10;
	[sflag:s5] =	ssyncset.done $0x0;
	s15 =	rddreg [dreg:$0xf]  }
0x149: {  	s23 =	simm.s32 $0xA0;
	s8 =	rddreg [dreg:$0x17];
	[sflag:s5] =	ssyncadd.s32 $0xFFFFB000  }
.LBB2_7:
0x14a: {  	_ =	sfence.sel $0x180000  }
0x14b: {  	[bflag:$0x0] =	sbarrier.arrive $0xFFFF  }
0x14c: {  	_ =	strace $0x90000047  }
0x14d: {  	s0 =	stileid.u32;
	[bflag:$0x2] =	sbarrier.arrive $0xFFFF  }
0x14e: {  	p0 =	sne.s32 s0, $0x0;
	s0 =	rddreg [dreg:$0x3]  }
0x14f: {  	s0 =	sadd.s32 @!p0 $0x100000, s0  }
0x150: {  	[sflag:s0] =	ssyncadd.tile.s32 @!p0 $0x1;
	_ =	shalt  }
.Lfunc_end2:
_tile_overlayer_lowered:
.L_overlay_start_2:
0x151: {  	(tag) =	ssettag $0x2  }
0x152: {  	s0 =	rddreg [dreg:$0x0];
	s2 =	stileid.u32  }
0x153: {  	s1 =	rddreg [dreg:$0x1];
	p0 =	sne.s32 s2, $0x0  }
0x154: {  	s3 =	rddreg [dreg:$0x2];
	[bflag:$0x3] =	sbarrier.arrive $0xFFFF;
	s2 =	simm.s32 @!p0 $0x1C10  }
0x155: {  	[timem:s3], [sflag:s2] =	dma.local @!p0 [hbm:s0], s1  }
0x156: {  	s0 =	simm.s32 @!p0 $0x10  }
0x157: {  	_ =	swait.ge @!p0 [sflag:s0], s1  }
0x158: {  	s1 =	ssub.s32 @!p0 $0x0, s1;
	[sflag:s0] =	ssyncset.done @!p0 $0x0  }
0x159: {  	[sflag:s0] =	ssyncadd.s32 @!p0 s1  }
0x15a: {  	[bflag:$0x3] =	sbarrier.arrive $0xFFFF  }
0x15b: {  	_ =	shalt  }

</sc_bundles>
